<compile_context>
chip_gen: v7x
topology: tpu7x:2x2x1
jax: 0.10.2.dev20260603
libtpu: 0.0.44.dev20260713+nightly
codegen_flags: <defaults>
</compile_context>

<pallas_src>
import functools

import jax
import jax.numpy as jnp
from jax import lax
from jax.experimental import pallas as pl
from jax.experimental.pallas import tpu as pltpu
from jax.experimental.pallas import tpu_sc as plsc

_NC, _NS = 2, 16
_NW = _NC * _NS
_CH = 80
_LANES = 16
_ZB = 8
_R = 4


def _sc_aggregate(x, idx4d, edge_attr):
    n, d = x.shape
    e = edge_attr.shape[0]
    ept = e // _NW
    nchunk = ept // _CH
    rpt = -(-(n // _NS) // _ZB) * _ZB
    owner = n // rpt
    rem = n % rpt
    ngrp = d // _LANES

    mesh = plsc.VectorSubcoreMesh(core_axis_name="c", subcore_axis_name="s")

    @functools.partial(
        pl.kernel,
        out_type=jax.ShapeDtypeStruct((_NC * n, d), jnp.float32),
        mesh=mesh,
        scratch_types=[
            pltpu.VMEM((_R, 2, _CH), jnp.int32),
            pltpu.VMEM((2 * _CH, d), jnp.float32),
            pltpu.VMEM((_CH, d), jnp.float32),
            pltpu.VMEM_SHARED((_NS * rpt, d), jnp.float32),
            pltpu.SemaphoreType.DMA,
            pltpu.SemaphoreType.DMA,
            pltpu.SemaphoreType.DMA,
        ],
    )
    def agg_kernel(x_hbm, idx_hbm, ea_hbm, out_hbm,
                   idx_v, rows_v, ea_v, acc_sh,
                   sem_idx, sem_in, sem_sc):
        c = lax.axis_index("c")
        s = lax.axis_index("s")
        wid = c * _NS + s

        def zrow(r, carry):
            for k in range(ngrp):
                ea_v[r, pl.ds(k * _LANES, _LANES)] = jnp.zeros(
                    (_LANES,), jnp.float32)
            return carry
        lax.fori_loop(0, _CH, zrow, 0)
        row0 = s * rpt
        nfull = rpt // _CH
        for t in range(nfull):
            pltpu.sync_copy(ea_v, acc_sh.at[pl.ds(row0 + t * _CH, _CH), :])
        if rpt % _CH:
            pltpu.sync_copy(
                ea_v.at[pl.ds(0, rpt % _CH), :],
                acc_sh.at[pl.ds(row0 + nfull * _CH, rpt % _CH), :])
        plsc.subcore_barrier()

        base = wid * ept

        def ea_copy(k):
            return pltpu.make_async_copy(
                ea_hbm.at[pl.ds(base + k * _CH, _CH), :], ea_v, sem_in)

        def gather_copy(islot, rslot):
            return pltpu.make_async_copy(
                x_hbm.at[idx_v.at[islot, 0]],
                rows_v.at[pl.ds(rslot * _CH, _CH), :], sem_in)

        def pair_wait(sem):
            pltpu.make_async_copy(
                ea_hbm.at[pl.ds(0, 2 * _CH), :], rows_v, sem).wait()

        def scr_drain():
            pltpu.make_async_copy(
                ea_hbm.at[pl.ds(0, _CH), :],
                rows_v.at[pl.ds(0, _CH), :], sem_sc).wait()

        def idx_copy(k, slot):
            return pltpu.make_async_copy(idx_hbm.at[wid, k], idx_v.at[slot],
                                         sem_idx)

        pltpu.sync_copy(idx_hbm.at[wid, 0], idx_v.at[0])
        gather_copy(0, 0).start()
        ea_copy(0).start()
        idx_copy(1, 1).start()
        idx_copy(2, 2).start()

        def chunk(j, carry):
            b = j % 2
            i = j % _R
            i1 = (j + 1) % _R
            more = j + 1 < nchunk

            @pl.when(j >= 1)
            def _drain_prev():
                ea_copy(j).start()
                scr_drain()

            @pl.when(more)
            def _wait_idx():
                idx_copy(j + 1, i1).wait()

            @pl.when(j + 3 < nchunk)
            def _prefetch_idx():
                idx_copy(j + 3, (j + 3) % _R).start()

            pair_wait(sem_in)

            @pl.when(more)
            def _next_gather():
                gather_copy(i1, 1 - b).start()

            def _add(r):
                for k in range(ngrp):
                    sl = pl.ds(k * _LANES, _LANES)
                    rows_v[b * _CH + r, sl] = (rows_v[b * _CH + r, sl]
                                               + ea_v[r, sl])
            plsc.parallel_loop(0, _CH, unroll=8)(_add)

            fb = rows_v[b * _CH, pl.ds(0, _LANES)]
            neg = jnp.minimum(jnp.minimum(fb, 0.0).astype(jnp.int32),
                              jnp.zeros((_LANES,), jnp.int32))
            for t in range(_CH // _LANES):
                sl = pl.ds(t * _LANES, _LANES)
                idx_v[i, 1, sl] = jnp.maximum(idx_v[i, 1, sl], neg)

            pltpu.async_copy(rows_v.at[pl.ds(b * _CH, _CH), :],
                             acc_sh.at[idx_v.at[i, 1]], sem_sc, add=True)
            return carry
        lax.fori_loop(0, nchunk, chunk, 0)

        scr_drain()

        plsc.subcore_barrier()

        @pl.when(s < owner)
        def _full():
            pltpu.sync_copy(acc_sh.at[pl.ds(row0, rpt), :],
                            out_hbm.at[pl.ds(c * n + row0, rpt), :])

        if rem:
            @pl.when(s == owner)
            def _ragged():
                pltpu.sync_copy(acc_sh.at[pl.ds(row0, rem), :],
                                out_hbm.at[pl.ds(c * n + row0, rem), :])

    return agg_kernel(x, idx4d, edge_attr)


def _mlp_norm_gelu_residual(parts, x, W1, b1, W2, b2,
                            ln_w, ln_b, gn_w, gn_b, gn_ms, n, d, br):
    nb = n // br
    inv_nd = 1.0 / (n * d)
    inv_n = 1.0 / n

    def body(p0_ref, p1_ref, x_ref, w1_ref, b1_ref, w2_ref, b2_ref,
             lnw_ref, lnb_ref, gnw_ref, gnb_ref, gms_ref,
             out_ref, h_ref, acc_ref):
        k = pl.program_id(0)

        @pl.when(k < nb)
        def _mlp():
            agg = p0_ref[...] + p1_ref[...]
            h1 = jnp.dot(agg, w1_ref[...], preferred_element_type=jnp.float32)
            h1 = jnp.maximum(h1 + b1_ref[...], 0.0)
            h = jnp.dot(h1, w2_ref[...], preferred_element_type=jnp.float32)
            h = h + b2_ref[...]
            h_ref[pl.ds(k * br, br), :] = h

            @pl.when(k == 0)
            def _init():
                acc_ref[...] = jnp.zeros_like(acc_ref)

            acc_ref[0:1, :] += jnp.sum(h, axis=0, keepdims=True)
            acc_ref[1:2, :] += jnp.sum(h * h, axis=0, keepdims=True)

        @pl.when(k >= nb)
        def _norm():
            s1 = acc_ref[0:1, :]
            s2 = acc_ref[1:2, :]
            mean = jnp.sum(s1) * inv_nd
            var = jnp.sum(s2) * inv_nd - mean * mean
            a = lnw_ref[...] * lax.rsqrt(var + 1e-5)
            b = lnb_ref[...] - mean * a
            m = a * (s1 * inv_n) + b
            beta = b - m * gms_ref[...]
            v = (a * a * (s2 * inv_n) + 2.0 * a * beta * (s1 * inv_n)
                 + beta * beta)
            scale = gnw_ref[...] * lax.rsqrt(v + 1e-5)
            A = a * scale
            B = beta * scale + gnb_ref[...]
            h = h_ref[pl.ds((k - nb) * br, br), :]
            out_ref[...] = jax.nn.gelu(h * A + B) + x_ref[...]

    return pl.pallas_call(
        body,
        grid=(2 * nb,),
        in_specs=[
            pl.BlockSpec((br, d), lambda k: (jnp.minimum(k, nb - 1), 0)),
            pl.BlockSpec((br, d), lambda k: (jnp.minimum(k, nb - 1) + nb, 0)),
            pl.BlockSpec((br, d), lambda k: (jnp.maximum(k - nb, 0), 0)),
            pl.BlockSpec((d, 2 * d), lambda k: (0, 0)),
            pl.BlockSpec((1, 2 * d), lambda k: (0, 0)),
            pl.BlockSpec((2 * d, d), lambda k: (0, 0)),
            pl.BlockSpec((1, d), lambda k: (0, 0)),
            pl.BlockSpec((1, d), lambda k: (0, 0)),
            pl.BlockSpec((1, d), lambda k: (0, 0)),
            pl.BlockSpec((1, d), lambda k: (0, 0)),
            pl.BlockSpec((1, d), lambda k: (0, 0)),
            pl.BlockSpec((1, d), lambda k: (0, 0)),
        ],
        out_specs=pl.BlockSpec((br, d), lambda k: (jnp.maximum(k - nb, 0), 0)),
        out_shape=jax.ShapeDtypeStruct((n, d), jnp.float32),
        scratch_shapes=[
            pltpu.VMEM((n, d), jnp.float32),
            pltpu.VMEM((8, d), jnp.float32),
        ],
    )(parts, parts, x, W1, b1, W2, b2, ln_w, ln_b, gn_w, gn_b, gn_ms)


def kernel(x, edge_index, edge_attr, W1, b1, W2, b2,
           ln_weight, ln_bias, gn_weight, gn_bias, gn_mean_scale):
    n, d = x.shape
    e = edge_attr.shape[0]
    idx4d = jnp.transpose(
        edge_index.reshape(2, _NW, e // (_NW * _CH), _CH), (1, 2, 0, 3))

    parts = _sc_aggregate(x, idx4d, edge_attr)

    br = 1000
    return _mlp_norm_gelu_residual(
        parts, x, W1, b1.reshape(1, -1), W2, b2.reshape(1, -1),
        ln_weight.reshape(1, -1), ln_bias.reshape(1, -1),
        gn_weight.reshape(1, -1), gn_bias.reshape(1, -1),
        gn_mean_scale.reshape(1, -1), n, d, br)

# --- scband reference (transcript-rebuilt; emitter-appended) ---
"""Pipeline reference for scband-geo-gnnblock-14912126452426 (READ-ONLY COPY).

The authoritative reference and input builder live on the scoring server;
editing this copy changes nothing except your own understanding.
"""

import jax, jax.numpy as jnp
import numpy as np

N, E, D = 10000, 320000, 128

def setup_inputs(seed: int = 0):
    key = jax.random.key(seed)
    ks = jax.random.split(key, 8)
    x = jax.random.normal(ks[0], (N, D), dtype=jnp.float32)
    edge_index = jax.random.randint(ks[1], (2, E), 0, N)
    edge_attr = jax.random.normal(ks[2], (E, D), dtype=jnp.float32)
    # GINConv MLP params: Linear(D, 2D) -> ReLU -> Linear(2D, D)
    W1 = jax.random.normal(ks[3], (D, 2 * D), dtype=jnp.float32) * (1.0 / np.sqrt(D))
    b1 = jnp.zeros((2 * D,), dtype=jnp.float32)
    W2 = jax.random.normal(ks[4], (2 * D, D), dtype=jnp.float32) * (1.0 / np.sqrt(2 * D))
    b2 = jnp.zeros((D,), dtype=jnp.float32)
    # LayerNorm(mode='graph') affine params
    ln_weight = jnp.ones((D,), dtype=jnp.float32)
    ln_bias = jnp.zeros((D,), dtype=jnp.float32)
    # GraphNorm params
    gn_weight = jnp.ones((D,), dtype=jnp.float32)
    gn_bias = jnp.zeros((D,), dtype=jnp.float32)
    gn_mean_scale = jnp.ones((D,), dtype=jnp.float32)
    return {"x": x, "edge_index": edge_index, "edge_attr": edge_attr,
            "W1": W1, "b1": b1, "W2": W2, "b2": b2,
            "ln_weight": ln_weight, "ln_bias": ln_bias,
            "gn_weight": gn_weight, "gn_bias": gn_bias, "gn_mean_scale": gn_mean_scale}

def reference(x, edge_index, edge_attr, W1, b1, W2, b2, ln_weight, ln_bias, gn_weight, gn_bias, gn_mean_scale):
    n = x.shape[0]
    src = edge_index[0]
    dst = edge_index[1]
    # GINConv (GEM-style): message = x_src + edge_attr, sum-aggregated to dst, then MLP
    msg = x[src] + edge_attr
    agg = jax.ops.segment_sum(msg, dst, num_segments=n)
    h = jnp.dot(agg, W1) + b1
    h = jax.nn.relu(h)
    h = jnp.dot(h, W2) + b2
    # LayerNorm(mode='graph'), single graph: normalize over all nodes and channels
    mean = h.mean()
    var = ((h - mean) ** 2).mean()
    h = (h - mean) / jnp.sqrt(var + 1e-5) * ln_weight + ln_bias
    # GraphNorm, single graph: per-channel mean/var over nodes
    m = h.mean(axis=0)
    out = h - m * gn_mean_scale
    v = (out * out).mean(axis=0)
    h = gn_weight * out / jnp.sqrt(v + 1e-5) + gn_bias
    # last_act=True -> GELU; dropout p=0 is identity
    h = jax.nn.gelu(h)
    return h + x

if __name__ == "__main__":
    import jax
    _d = setup_inputs()
    print(jax.jit(kernel)(*tuple(_d.values())))

</pallas_src>

<mosaic_0001>
#map = affine_map<(d0, d1) -> (0, 0)>
#map1 = affine_map<(d0, d1) -> (0, 0, 0, 0)>
module attributes {stable_mosaic.version = 14 : i64} {
  func.func @agg_kernel(%arg0: i32, %arg1: i32, %arg2: memref<10000x128xf32, #tpu.memory_space<hbm>>, %arg3: memref<32x125x2x80xi32, #tpu.memory_space<hbm>>, %arg4: memref<320000x128xf32, #tpu.memory_space<hbm>>, %arg5: memref<20000x128xf32, #tpu.memory_space<hbm>>, %arg6: memref<4x2x80xi32, #tpu.memory_space<vmem>>, %arg7: memref<160x128xf32, #tpu.memory_space<vmem>>, %arg8: memref<80x128xf32, #tpu.memory_space<vmem>>, %arg9: memref<10112x128xf32, #tpu.memory_space<vmem_shared>>, %arg10: memref<!tpu.dma_semaphore, #tpu.memory_space<semaphore_mem>>, %arg11: memref<!tpu.dma_semaphore, #tpu.memory_space<semaphore_mem>>, %arg12: memref<!tpu.dma_semaphore, #tpu.memory_space<semaphore_mem>>) attributes {dimension_semantics = [#tpu.dimension_semantics<core_parallel>, #tpu.dimension_semantics<subcore_parallel>], iteration_bounds = array<i64: 2, 16>, scalar_prefetch = 0 : i64, scratch_operands = 7 : i64, tpu.core_type = #tpu.core_type<sc_vector_subcore>, window_params = [{transform_indices = #map}, {transform_indices = #map1}, {transform_indices = #map}, {transform_indices = #map}]} {
    %mul3A = arith.constant 16 : i32
    %mul3A_0 = arith.muli %arg0, %mul3A : i32
    %add3A = arith.addi %mul3A_0, %arg1 : i32
    %scan3A = arith.constant 0 : i32
    %scan3A_1 = arith.constant 0 : i32
    %scan3A_2 = arith.constant 80 : i32
    %scan3A_3 = arith.addi %scan3A_1, %scan3A_2 : i32
    %scan3A_4 = arith.constant 1 : i32
    scf.for %scan3A_103 = %scan3A_1 to %scan3A_3 step %scan3A_4  : i32 {
      %broadcast_in_dim3A = arith.constant 0.000000e+00 : f32
      %broadcast_in_dim3A_104 = vector.broadcast %broadcast_in_dim3A : f32 to vector<16xf32>
      %swap3A = arith.index_cast %scan3A_103 : i32 to index
      %swap3A_105 = arith.constant 0 : index
      %swap3A_106 = tpu.vector_load %arg8[%swap3A, %swap3A_105] {strides = array<i32>} : memref<80x128xf32, #tpu.memory_space<vmem>>, vector<1x16xf32>,
      %swap3A_107 = vector.shape_cast %swap3A_106 : vector<1x16xf32> to vector<16xf32>
      %swap3A_108 = vector.shape_cast %broadcast_in_dim3A_104 : vector<16xf32> to vector<1x16xf32>
      tpu.vector_store %arg8[%swap3A, %swap3A_105], %swap3A_108 {strides = array<i32>} : memref<80x128xf32, #tpu.memory_space<vmem>>, vector<1x16xf32>,
      %broadcast_in_dim3A_109 = arith.constant 0.000000e+00 : f32
      %broadcast_in_dim3A_110 = vector.broadcast %broadcast_in_dim3A_109 : f32 to vector<16xf32>
      %swap3A_111 = arith.index_cast %scan3A_103 : i32 to index
      %swap3A_112 = arith.constant 16 : index
      %swap3A_113 = tpu.vector_load %arg8[%swap3A_111, %swap3A_112] {strides = array<i32>} : memref<80x128xf32, #tpu.memory_space<vmem>>, vector<1x16xf32>,
      %swap3A_114 = vector.shape_cast %swap3A_113 : vector<1x16xf32> to vector<16xf32>
      %swap3A_115 = vector.shape_cast %broadcast_in_dim3A_110 : vector<16xf32> to vector<1x16xf32>
      tpu.vector_store %arg8[%swap3A_111, %swap3A_112], %swap3A_115 {strides = array<i32>} : memref<80x128xf32, #tpu.memory_space<vmem>>, vector<1x16xf32>,
      %broadcast_in_dim3A_116 = arith.constant 0.000000e+00 : f32
      %broadcast_in_dim3A_117 = vector.broadcast %broadcast_in_dim3A_116 : f32 to vector<16xf32>
      %swap3A_118 = arith.index_cast %scan3A_103 : i32 to index
      %swap3A_119 = arith.constant 32 : index
      %swap3A_120 = tpu.vector_load %arg8[%swap3A_118, %swap3A_119] {strides = array<i32>} : memref<80x128xf32, #tpu.memory_space<vmem>>, vector<1x16xf32>,
      %swap3A_121 = vector.shape_cast %swap3A_120 : vector<1x16xf32> to vector<16xf32>
      %swap3A_122 = vector.shape_cast %broadcast_in_dim3A_117 : vector<16xf32> to vector<1x16xf32>
      tpu.vector_store %arg8[%swap3A_118, %swap3A_119], %swap3A_122 {strides = array<i32>} : memref<80x128xf32, #tpu.memory_space<vmem>>, vector<1x16xf32>,
      %broadcast_in_dim3A_123 = arith.constant 0.000000e+00 : f32
      %broadcast_in_dim3A_124 = vector.broadcast %broadcast_in_dim3A_123 : f32 to vector<16xf32>
      %swap3A_125 = arith.index_cast %scan3A_103 : i32 to index
      %swap3A_126 = arith.constant 48 : index
      %swap3A_127 = tpu.vector_load %arg8[%swap3A_125, %swap3A_126] {strides = array<i32>} : memref<80x128xf32, #tpu.memory_space<vmem>>, vector<1x16xf32>,
      %swap3A_128 = vector.shape_cast %swap3A_127 : vector<1x16xf32> to vector<16xf32>
      %swap3A_129 = vector.shape_cast %broadcast_in_dim3A_124 : vector<16xf32> to vector<1x16xf32>
      tpu.vector_store %arg8[%swap3A_125, %swap3A_126], %swap3A_129 {strides = array<i32>} : memref<80x128xf32, #tpu.memory_space<vmem>>, vector<1x16xf32>,
      %broadcast_in_dim3A_130 = arith.constant 0.000000e+00 : f32
      %broadcast_in_dim3A_131 = vector.broadcast %broadcast_in_dim3A_130 : f32 to vector<16xf32>
      %swap3A_132 = arith.index_cast %scan3A_103 : i32 to index
      %swap3A_133 = arith.constant 64 : index
      %swap3A_134 = tpu.vector_load %arg8[%swap3A_132, %swap3A_133] {strides = array<i32>} : memref<80x128xf32, #tpu.memory_space<vmem>>, vector<1x16xf32>,
      %swap3A_135 = vector.shape_cast %swap3A_134 : vector<1x16xf32> to vector<16xf32>
      %swap3A_136 = vector.shape_cast %broadcast_in_dim3A_131 : vector<16xf32> to vector<1x16xf32>
      tpu.vector_store %arg8[%swap3A_132, %swap3A_133], %swap3A_136 {strides = array<i32>} : memref<80x128xf32, #tpu.memory_space<vmem>>, vector<1x16xf32>,
      %broadcast_in_dim3A_137 = arith.constant 0.000000e+00 : f32
      %broadcast_in_dim3A_138 = vector.broadcast %broadcast_in_dim3A_137 : f32 to vector<16xf32>
      %swap3A_139 = arith.index_cast %scan3A_103 : i32 to index
      %swap3A_140 = arith.constant 80 : index
      %swap3A_141 = tpu.vector_load %arg8[%swap3A_139, %swap3A_140] {strides = array<i32>} : memref<80x128xf32, #tpu.memory_space<vmem>>, vector<1x16xf32>,
      %swap3A_142 = vector.shape_cast %swap3A_141 : vector<1x16xf32> to vector<16xf32>
      %swap3A_143 = vector.shape_cast %broadcast_in_dim3A_138 : vector<16xf32> to vector<1x16xf32>
      tpu.vector_store %arg8[%swap3A_139, %swap3A_140], %swap3A_143 {strides = array<i32>} : memref<80x128xf32, #tpu.memory_space<vmem>>, vector<1x16xf32>,
      %broadcast_in_dim3A_144 = arith.constant 0.000000e+00 : f32
      %broadcast_in_dim3A_145 = vector.broadcast %broadcast_in_dim3A_144 : f32 to vector<16xf32>
      %swap3A_146 = arith.index_cast %scan3A_103 : i32 to index
      %swap3A_147 = arith.constant 96 : index
      %swap3A_148 = tpu.vector_load %arg8[%swap3A_146, %swap3A_147] {strides = array<i32>} : memref<80x128xf32, #tpu.memory_space<vmem>>, vector<1x16xf32>,
      %swap3A_149 = vector.shape_cast %swap3A_148 : vector<1x16xf32> to vector<16xf32>
      %swap3A_150 = vector.shape_cast %broadcast_in_dim3A_145 : vector<16xf32> to vector<1x16xf32>
      tpu.vector_store %arg8[%swap3A_146, %swap3A_147], %swap3A_150 {strides = array<i32>} : memref<80x128xf32, #tpu.memory_space<vmem>>, vector<1x16xf32>,
      %broadcast_in_dim3A_151 = arith.constant 0.000000e+00 : f32
      %broadcast_in_dim3A_152 = vector.broadcast %broadcast_in_dim3A_151 : f32 to vector<16xf32>
      %swap3A_153 = arith.index_cast %scan3A_103 : i32 to index
      %swap3A_154 = arith.constant 112 : index
      %swap3A_155 = tpu.vector_load %arg8[%swap3A_153, %swap3A_154] {strides = array<i32>} : memref<80x128xf32, #tpu.memory_space<vmem>>, vector<1x16xf32>,
      %swap3A_156 = vector.shape_cast %swap3A_155 : vector<1x16xf32> to vector<16xf32>
      %swap3A_157 = vector.shape_cast %broadcast_in_dim3A_152 : vector<16xf32> to vector<1x16xf32>
      tpu.vector_store %arg8[%swap3A_153, %swap3A_154], %swap3A_157 {strides = array<i32>} : memref<80x128xf32, #tpu.memory_space<vmem>>, vector<1x16xf32>,
    }
    %scan3A_5 = arith.constant 80 : i32
    %mul3A_6 = arith.constant 632 : i32
    %mul3A_7 = arith.muli %arg1, %mul3A_6 : i32
    %add3A_8 = arith.constant 0 : i32
    %add3A_9 = arith.addi %mul3A_7, %add3A_8 : i32
    "tpu.region"() ({
      %run_scoped3A_103 = tpu.sem_alloc : memref<!tpu.dma_semaphore, #tpu.memory_space<semaphore_mem>>
      %dma_start3A_104 = arith.constant 0 : i32
      %dma_start3A_105 = tpu.memref_slice %arg9[%add3A_9, %dma_start3A_104] : memref<10112x128xf32, #tpu.memory_space<vmem_shared>> -> memref<80x128xf32, #tpu.memory_space<vmem_shared>>
      %dma_start3A_106 = arith.constant 0 : i32
      %dma_start3A_107 = tpu.memref_slice %arg9[%add3A_9, %dma_start3A_106] : memref<10112x128xf32, #tpu.memory_space<vmem_shared>> -> memref<80x128xf32, #tpu.memory_space<vmem_shared>>
      tpu.enqueue_dma source(%arg8 : memref<80x128xf32, #tpu.memory_space<vmem>>) target(%dma_start3A_107 : memref<80x128xf32, #tpu.memory_space<vmem_shared>>) target_semaphore(%run_scoped3A_103 : memref<!tpu.dma_semaphore, #tpu.memory_space<semaphore_mem>>)
      %dma_wait3A_108 = arith.constant 0 : i32
      %dma_wait3A_109 = tpu.memref_slice %arg9[%add3A_9, %dma_wait3A_108] : memref<10112x128xf32, #tpu.memory_space<vmem_shared>> -> memref<80x128xf32, #tpu.memory_space<vmem_shared>>
      %dma_wait3A_110 = arith.constant 0 : i32
      %dma_wait3A_111 = tpu.memref_slice %arg9[%add3A_9, %dma_wait3A_110] : memref<10112x128xf32, #tpu.memory_space<vmem_shared>> -> memref<80x128xf32, #tpu.memory_space<vmem_shared>>
      tpu.wait_dma2 semaphore(%run_scoped3A_103 : memref<!tpu.dma_semaphore, #tpu.memory_space<semaphore_mem>>) src(%arg8 : memref<80x128xf32, #tpu.memory_space<vmem>>) dst(%dma_wait3A_111 : memref<80x128xf32, #tpu.memory_space<vmem_shared>>)
      tpu.yield
    }) : () -> ()
    %add3A_10 = arith.constant 80 : i32
    %add3A_11 = arith.addi %mul3A_7, %add3A_10 : i32
    "tpu.region"() ({
      %run_scoped3A_103 = tpu.sem_alloc : memref<!tpu.dma_semaphore, #tpu.memory_space<semaphore_mem>>
      %dma_start3A_104 = arith.constant 0 : i32
      %dma_start3A_105 = tpu.memref_slice %arg9[%add3A_11, %dma_start3A_104] : memref<10112x128xf32, #tpu.memory_space<vmem_shared>> -> memref<80x128xf32, #tpu.memory_space<vmem_shared>>
      %dma_start3A_106 = arith.constant 0 : i32
      %dma_start3A_107 = tpu.memref_slice %arg9[%add3A_11, %dma_start3A_106] : memref<10112x128xf32, #tpu.memory_space<vmem_shared>> -> memref<80x128xf32, #tpu.memory_space<vmem_shared>>
      tpu.enqueue_dma source(%arg8 : memref<80x128xf32, #tpu.memory_space<vmem>>) target(%dma_start3A_107 : memref<80x128xf32, #tpu.memory_space<vmem_shared>>) target_semaphore(%run_scoped3A_103 : memref<!tpu.dma_semaphore, #tpu.memory_space<semaphore_mem>>)
      %dma_wait3A_108 = arith.constant 0 : i32
      %dma_wait3A_109 = tpu.memref_slice %arg9[%add3A_11, %dma_wait3A_108] : memref<10112x128xf32, #tpu.memory_space<vmem_shared>> -> memref<80x128xf32, #tpu.memory_space<vmem_shared>>
      %dma_wait3A_110 = arith.constant 0 : i32
      %dma_wait3A_111 = tpu.memref_slice %arg9[%add3A_11, %dma_wait3A_110] : memref<10112x128xf32, #tpu.memory_space<vmem_shared>> -> memref<80x128xf32, #tpu.memory_space<vmem_shared>>
      tpu.wait_dma2 semaphore(%run_scoped3A_103 : memref<!tpu.dma_semaphore, #tpu.memory_space<semaphore_mem>>) src(%arg8 : memref<80x128xf32, #tpu.memory_space<vmem>>) dst(%dma_wait3A_111 : memref<80x128xf32, #tpu.memory_space<vmem_shared>>)
      tpu.yield
    }) : () -> ()
    %add3A_12 = arith.constant 160 : i32
    %add3A_13 = arith.addi %mul3A_7, %add3A_12 : i32
    "tpu.region"() ({
      %run_scoped3A_103 = tpu.sem_alloc : memref<!tpu.dma_semaphore, #tpu.memory_space<semaphore_mem>>
      %dma_start3A_104 = arith.constant 0 : i32
      %dma_start3A_105 = tpu.memref_slice %arg9[%add3A_13, %dma_start3A_104] : memref<10112x128xf32, #tpu.memory_space<vmem_shared>> -> memref<80x128xf32, #tpu.memory_space<vmem_shared>>
      %dma_start3A_106 = arith.constant 0 : i32
      %dma_start3A_107 = tpu.memref_slice %arg9[%add3A_13, %dma_start3A_106] : memref<10112x128xf32, #tpu.memory_space<vmem_shared>> -> memref<80x128xf32, #tpu.memory_space<vmem_shared>>
      tpu.enqueue_dma source(%arg8 : memref<80x128xf32, #tpu.memory_space<vmem>>) target(%dma_start3A_107 : memref<80x128xf32, #tpu.memory_space<vmem_shared>>) target_semaphore(%run_scoped3A_103 : memref<!tpu.dma_semaphore, #tpu.memory_space<semaphore_mem>>)
      %dma_wait3A_108 = arith.constant 0 : i32
      %dma_wait3A_109 = tpu.memref_slice %arg9[%add3A_13, %dma_wait3A_108] : memref<10112x128xf32, #tpu.memory_space<vmem_shared>> -> memref<80x128xf32, #tpu.memory_space<vmem_shared>>
      %dma_wait3A_110 = arith.constant 0 : i32
      %dma_wait3A_111 = tpu.memref_slice %arg9[%add3A_13, %dma_wait3A_110] : memref<10112x128xf32, #tpu.memory_space<vmem_shared>> -> memref<80x128xf32, #tpu.memory_space<vmem_shared>>
      tpu.wait_dma2 semaphore(%run_scoped3A_103 : memref<!tpu.dma_semaphore, #tpu.memory_space<semaphore_mem>>) src(%arg8 : memref<80x128xf32, #tpu.memory_space<vmem>>) dst(%dma_wait3A_111 : memref<80x128xf32, #tpu.memory_space<vmem_shared>>)
      tpu.yield
    }) : () -> ()
    %add3A_14 = arith.constant 240 : i32
    %add3A_15 = arith.addi %mul3A_7, %add3A_14 : i32
    "tpu.region"() ({
      %run_scoped3A_103 = tpu.sem_alloc : memref<!tpu.dma_semaphore, #tpu.memory_space<semaphore_mem>>
      %dma_start3A_104 = arith.constant 0 : i32
      %dma_start3A_105 = tpu.memref_slice %arg9[%add3A_15, %dma_start3A_104] : memref<10112x128xf32, #tpu.memory_space<vmem_shared>> -> memref<80x128xf32, #tpu.memory_space<vmem_shared>>
      %dma_start3A_106 = arith.constant 0 : i32
      %dma_start3A_107 = tpu.memref_slice %arg9[%add3A_15, %dma_start3A_106] : memref<10112x128xf32, #tpu.memory_space<vmem_shared>> -> memref<80x128xf32, #tpu.memory_space<vmem_shared>>
      tpu.enqueue_dma source(%arg8 : memref<80x128xf32, #tpu.memory_space<vmem>>) target(%dma_start3A_107 : memref<80x128xf32, #tpu.memory_space<vmem_shared>>) target_semaphore(%run_scoped3A_103 : memref<!tpu.dma_semaphore, #tpu.memory_space<semaphore_mem>>)
      %dma_wait3A_108 = arith.constant 0 : i32
      %dma_wait3A_109 = tpu.memref_slice %arg9[%add3A_15, %dma_wait3A_108] : memref<10112x128xf32, #tpu.memory_space<vmem_shared>> -> memref<80x128xf32, #tpu.memory_space<vmem_shared>>
      %dma_wait3A_110 = arith.constant 0 : i32
      %dma_wait3A_111 = tpu.memref_slice %arg9[%add3A_15, %dma_wait3A_110] : memref<10112x128xf32, #tpu.memory_space<vmem_shared>> -> memref<80x128xf32, #tpu.memory_space<vmem_shared>>
      tpu.wait_dma2 semaphore(%run_scoped3A_103 : memref<!tpu.dma_semaphore, #tpu.memory_space<semaphore_mem>>) src(%arg8 : memref<80x128xf32, #tpu.memory_space<vmem>>) dst(%dma_wait3A_111 : memref<80x128xf32, #tpu.memory_space<vmem_shared>>)
      tpu.yield
    }) : () -> ()
    %add3A_16 = arith.constant 320 : i32
    %add3A_17 = arith.addi %mul3A_7, %add3A_16 : i32
    "tpu.region"() ({
      %run_scoped3A_103 = tpu.sem_alloc : memref<!tpu.dma_semaphore, #tpu.memory_space<semaphore_mem>>
      %dma_start3A_104 = arith.constant 0 : i32
      %dma_start3A_105 = tpu.memref_slice %arg9[%add3A_17, %dma_start3A_104] : memref<10112x128xf32, #tpu.memory_space<vmem_shared>> -> memref<80x128xf32, #tpu.memory_space<vmem_shared>>
      %dma_start3A_106 = arith.constant 0 : i32
      %dma_start3A_107 = tpu.memref_slice %arg9[%add3A_17, %dma_start3A_106] : memref<10112x128xf32, #tpu.memory_space<vmem_shared>> -> memref<80x128xf32, #tpu.memory_space<vmem_shared>>
      tpu.enqueue_dma source(%arg8 : memref<80x128xf32, #tpu.memory_space<vmem>>) target(%dma_start3A_107 : memref<80x128xf32, #tpu.memory_space<vmem_shared>>) target_semaphore(%run_scoped3A_103 : memref<!tpu.dma_semaphore, #tpu.memory_space<semaphore_mem>>)
      %dma_wait3A_108 = arith.constant 0 : i32
      %dma_wait3A_109 = tpu.memref_slice %arg9[%add3A_17, %dma_wait3A_108] : memref<10112x128xf32, #tpu.memory_space<vmem_shared>> -> memref<80x128xf32, #tpu.memory_space<vmem_shared>>
      %dma_wait3A_110 = arith.constant 0 : i32
      %dma_wait3A_111 = tpu.memref_slice %arg9[%add3A_17, %dma_wait3A_110] : memref<10112x128xf32, #tpu.memory_space<vmem_shared>> -> memref<80x128xf32, #tpu.memory_space<vmem_shared>>
      tpu.wait_dma2 semaphore(%run_scoped3A_103 : memref<!tpu.dma_semaphore, #tpu.memory_space<semaphore_mem>>) src(%arg8 : memref<80x128xf32, #tpu.memory_space<vmem>>) dst(%dma_wait3A_111 : memref<80x128xf32, #tpu.memory_space<vmem_shared>>)
      tpu.yield
    }) : () -> ()
    %add3A_18 = arith.constant 400 : i32
    %add3A_19 = arith.addi %mul3A_7, %add3A_18 : i32
    "tpu.region"() ({
      %run_scoped3A_103 = tpu.sem_alloc : memref<!tpu.dma_semaphore, #tpu.memory_space<semaphore_mem>>
      %dma_start3A_104 = arith.constant 0 : i32
      %dma_start3A_105 = tpu.memref_slice %arg9[%add3A_19, %dma_start3A_104] : memref<10112x128xf32, #tpu.memory_space<vmem_shared>> -> memref<80x128xf32, #tpu.memory_space<vmem_shared>>
      %dma_start3A_106 = arith.constant 0 : i32
      %dma_start3A_107 = tpu.memref_slice %arg9[%add3A_19, %dma_start3A_106] : memref<10112x128xf32, #tpu.memory_space<vmem_shared>> -> memref<80x128xf32, #tpu.memory_space<vmem_shared>>
      tpu.enqueue_dma source(%arg8 : memref<80x128xf32, #tpu.memory_space<vmem>>) target(%dma_start3A_107 : memref<80x128xf32, #tpu.memory_space<vmem_shared>>) target_semaphore(%run_scoped3A_103 : memref<!tpu.dma_semaphore, #tpu.memory_space<semaphore_mem>>)
      %dma_wait3A_108 = arith.constant 0 : i32
      %dma_wait3A_109 = tpu.memref_slice %arg9[%add3A_19, %dma_wait3A_108] : memref<10112x128xf32, #tpu.memory_space<vmem_shared>> -> memref<80x128xf32, #tpu.memory_space<vmem_shared>>
      %dma_wait3A_110 = arith.constant 0 : i32
      %dma_wait3A_111 = tpu.memref_slice %arg9[%add3A_19, %dma_wait3A_110] : memref<10112x128xf32, #tpu.memory_space<vmem_shared>> -> memref<80x128xf32, #tpu.memory_space<vmem_shared>>
      tpu.wait_dma2 semaphore(%run_scoped3A_103 : memref<!tpu.dma_semaphore, #tpu.memory_space<semaphore_mem>>) src(%arg8 : memref<80x128xf32, #tpu.memory_space<vmem>>) dst(%dma_wait3A_111 : memref<80x128xf32, #tpu.memory_space<vmem_shared>>)
      tpu.yield
    }) : () -> ()
    %add3A_20 = arith.constant 480 : i32
    %add3A_21 = arith.addi %mul3A_7, %add3A_20 : i32
    "tpu.region"() ({
      %run_scoped3A_103 = tpu.sem_alloc : memref<!tpu.dma_semaphore, #tpu.memory_space<semaphore_mem>>
      %dma_start3A_104 = arith.constant 0 : i32
      %dma_start3A_105 = tpu.memref_slice %arg9[%add3A_21, %dma_start3A_104] : memref<10112x128xf32, #tpu.memory_space<vmem_shared>> -> memref<80x128xf32, #tpu.memory_space<vmem_shared>>
      %dma_start3A_106 = arith.constant 0 : i32
      %dma_start3A_107 = tpu.memref_slice %arg9[%add3A_21, %dma_start3A_106] : memref<10112x128xf32, #tpu.memory_space<vmem_shared>> -> memref<80x128xf32, #tpu.memory_space<vmem_shared>>
      tpu.enqueue_dma source(%arg8 : memref<80x128xf32, #tpu.memory_space<vmem>>) target(%dma_start3A_107 : memref<80x128xf32, #tpu.memory_space<vmem_shared>>) target_semaphore(%run_scoped3A_103 : memref<!tpu.dma_semaphore, #tpu.memory_space<semaphore_mem>>)
      %dma_wait3A_108 = arith.constant 0 : i32
      %dma_wait3A_109 = tpu.memref_slice %arg9[%add3A_21, %dma_wait3A_108] : memref<10112x128xf32, #tpu.memory_space<vmem_shared>> -> memref<80x128xf32, #tpu.memory_space<vmem_shared>>
      %dma_wait3A_110 = arith.constant 0 : i32
      %dma_wait3A_111 = tpu.memref_slice %arg9[%add3A_21, %dma_wait3A_110] : memref<10112x128xf32, #tpu.memory_space<vmem_shared>> -> memref<80x128xf32, #tpu.memory_space<vmem_shared>>
      tpu.wait_dma2 semaphore(%run_scoped3A_103 : memref<!tpu.dma_semaphore, #tpu.memory_space<semaphore_mem>>) src(%arg8 : memref<80x128xf32, #tpu.memory_space<vmem>>) dst(%dma_wait3A_111 : memref<80x128xf32, #tpu.memory_space<vmem_shared>>)
      tpu.yield
    }) : () -> ()
    %add3A_22 = arith.constant 560 : i32
    %add3A_23 = arith.addi %mul3A_7, %add3A_22 : i32
    "tpu.region"() ({
      %run_scoped3A_103 = tpu.sem_alloc : memref<!tpu.dma_semaphore, #tpu.memory_space<semaphore_mem>>
      %dma_start3A_104 = arith.constant 0 : i32
      %dma_start3A_105 = arith.constant 0 : i32
      %dma_start3A_106 = tpu.memref_slice %arg8[%dma_start3A_104, %dma_start3A_105] : memref<80x128xf32, #tpu.memory_space<vmem>> -> memref<72x128xf32, #tpu.memory_space<vmem>>
      %dma_start3A_107 = arith.constant 0 : i32
      %dma_start3A_108 = tpu.memref_slice %arg9[%add3A_23, %dma_start3A_107] : memref<10112x128xf32, #tpu.memory_space<vmem_shared>> -> memref<72x128xf32, #tpu.memory_space<vmem_shared>>
      %dma_start3A_109 = arith.constant 0 : i32
      %dma_start3A_110 = tpu.memref_slice %arg9[%add3A_23, %dma_start3A_109] : memref<10112x128xf32, #tpu.memory_space<vmem_shared>> -> memref<72x128xf32, #tpu.memory_space<vmem_shared>>
      %dma_start3A_111 = arith.constant 0 : i32
      %dma_start3A_112 = arith.constant 0 : i32
      %dma_start3A_113 = tpu.memref_slice %arg8[%dma_start3A_111, %dma_start3A_112] : memref<80x128xf32, #tpu.memory_space<vmem>> -> memref<72x128xf32, #tpu.memory_space<vmem>>
      tpu.enqueue_dma source(%dma_start3A_113 : memref<72x128xf32, #tpu.memory_space<vmem>>) target(%dma_start3A_110 : memref<72x128xf32, #tpu.memory_space<vmem_shared>>) target_semaphore(%run_scoped3A_103 : memref<!tpu.dma_semaphore, #tpu.memory_space<semaphore_mem>>)
      %dma_wait3A_114 = arith.constant 0 : i32
      %dma_wait3A_115 = arith.constant 0 : i32
      %dma_wait3A_116 = tpu.memref_slice %arg8[%dma_wait3A_114, %dma_wait3A_115] : memref<80x128xf32, #tpu.memory_space<vmem>> -> memref<72x128xf32, #tpu.memory_space<vmem>>
      %dma_wait3A_117 = arith.constant 0 : i32
      %dma_wait3A_118 = tpu.memref_slice %arg9[%add3A_23, %dma_wait3A_117] : memref<10112x128xf32, #tpu.memory_space<vmem_shared>> -> memref<72x128xf32, #tpu.memory_space<vmem_shared>>
      %dma_wait3A_119 = arith.constant 0 : i32
      %dma_wait3A_120 = tpu.memref_slice %arg9[%add3A_23, %dma_wait3A_119] : memref<10112x128xf32, #tpu.memory_space<vmem_shared>> -> memref<72x128xf32, #tpu.memory_space<vmem_shared>>
      %dma_wait3A_121 = arith.constant 0 : i32
      %dma_wait3A_122 = arith.constant 0 : i32
      %dma_wait3A_123 = tpu.memref_slice %arg8[%dma_wait3A_121, %dma_wait3A_122] : memref<80x128xf32, #tpu.memory_space<vmem>> -> memref<72x128xf32, #tpu.memory_space<vmem>>
      tpu.wait_dma2 semaphore(%run_scoped3A_103 : memref<!tpu.dma_semaphore, #tpu.memory_space<semaphore_mem>>) src(%dma_wait3A_123 : memref<72x128xf32, #tpu.memory_space<vmem>>) dst(%dma_wait3A_120 : memref<72x128xf32, #tpu.memory_space<vmem_shared>>)
      tpu.yield
    }) : () -> ()
    %barrier3A = arith.constant 0 : index
    tpu.barrier barrier_id(%barrier3A)
    %mul3A_24 = arith.constant 10000 : i32
    %mul3A_25 = arith.muli %add3A, %mul3A_24 : i32
    %run_scoped3A = arith.constant 0 : i32
    %run_scoped3A_26 = arith.constant 0 : i32
    "tpu.region"() ({
      %run_scoped3A_103 = tpu.sem_alloc : memref<!tpu.dma_semaphore, #tpu.memory_space<semaphore_mem>>
      %dma_start3A_104 = arith.constant 0 : i32
      %dma_start3A_105 = arith.constant 0 : i32
      %dma_start3A_106 = tpu.memref_slice %arg6[%run_scoped3A_26, %dma_start3A_104, %dma_start3A_105] : memref<4x2x80xi32, #tpu.memory_space<vmem>> -> memref<1x2x80xi32, #tpu.memory_space<vmem>>
      %dma_start3A_107 = tpu.memref_squeeze %dma_start3A_106 : memref<1x2x80xi32, #tpu.memory_space<vmem>> -> memref<2x80xi32, #tpu.memory_space<vmem>>
      %dma_start3A_108 = arith.constant 0 : i32
      %dma_start3A_109 = arith.constant 0 : i32
      %dma_start3A_110 = tpu.memref_slice %arg3[%add3A, %run_scoped3A, %dma_start3A_108, %dma_start3A_109] : memref<32x125x2x80xi32, #tpu.memory_space<hbm>> -> memref<1x1x2x80xi32, #tpu.memory_space<hbm>>
      %dma_start3A_111 = tpu.memref_squeeze %dma_start3A_110 : memref<1x1x2x80xi32, #tpu.memory_space<hbm>> -> memref<2x80xi32, #tpu.memory_space<hbm>>
      %dma_start3A_112 = arith.constant 0 : i32
      %dma_start3A_113 = arith.constant 0 : i32
      %dma_start3A_114 = tpu.memref_slice %arg6[%run_scoped3A_26, %dma_start3A_112, %dma_start3A_113] : memref<4x2x80xi32, #tpu.memory_space<vmem>> -> memref<1x2x80xi32, #tpu.memory_space<vmem>>
      %dma_start3A_115 = tpu.memref_squeeze %dma_start3A_114 : memref<1x2x80xi32, #tpu.memory_space<vmem>> -> memref<2x80xi32, #tpu.memory_space<vmem>>
      %dma_start3A_116 = arith.constant 0 : i32
      %dma_start3A_117 = arith.constant 0 : i32
      %dma_start3A_118 = tpu.memref_slice %arg3[%add3A, %run_scoped3A, %dma_start3A_116, %dma_start3A_117] : memref<32x125x2x80xi32, #tpu.memory_space<hbm>> -> memref<1x1x2x80xi32, #tpu.memory_space<hbm>>
      %dma_start3A_119 = tpu.memref_squeeze %dma_start3A_118 : memref<1x1x2x80xi32, #tpu.memory_space<hbm>> -> memref<2x80xi32, #tpu.memory_space<hbm>>
      tpu.enqueue_dma source(%dma_start3A_119 : memref<2x80xi32, #tpu.memory_space<hbm>>) target(%dma_start3A_115 : memref<2x80xi32, #tpu.memory_space<vmem>>) target_semaphore(%run_scoped3A_103 : memref<!tpu.dma_semaphore, #tpu.memory_space<semaphore_mem>>)
      %dma_wait3A_120 = arith.constant 0 : i32
      %dma_wait3A_121 = arith.constant 0 : i32
      %dma_wait3A_122 = tpu.memref_slice %arg6[%run_scoped3A_26, %dma_wait3A_120, %dma_wait3A_121] : memref<4x2x80xi32, #tpu.memory_space<vmem>> -> memref<1x2x80xi32, #tpu.memory_space<vmem>>
      %dma_wait3A_123 = tpu.memref_squeeze %dma_wait3A_122 : memref<1x2x80xi32, #tpu.memory_space<vmem>> -> memref<2x80xi32, #tpu.memory_space<vmem>>
      %dma_wait3A_124 = arith.constant 0 : i32
      %dma_wait3A_125 = arith.constant 0 : i32
      %dma_wait3A_126 = tpu.memref_slice %arg3[%add3A, %run_scoped3A, %dma_wait3A_124, %dma_wait3A_125] : memref<32x125x2x80xi32, #tpu.memory_space<hbm>> -> memref<1x1x2x80xi32, #tpu.memory_space<hbm>>
      %dma_wait3A_127 = tpu.memref_squeeze %dma_wait3A_126 : memref<1x1x2x80xi32, #tpu.memory_space<hbm>> -> memref<2x80xi32, #tpu.memory_space<hbm>>
      %dma_wait3A_128 = arith.constant 0 : i32
      %dma_wait3A_129 = arith.constant 0 : i32
      %dma_wait3A_130 = tpu.memref_slice %arg6[%run_scoped3A_26, %dma_wait3A_128, %dma_wait3A_129] : memref<4x2x80xi32, #tpu.memory_space<vmem>> -> memref<1x2x80xi32, #tpu.memory_space<vmem>>
      %dma_wait3A_131 = tpu.memref_squeeze %dma_wait3A_130 : memref<1x2x80xi32, #tpu.memory_space<vmem>> -> memref<2x80xi32, #tpu.memory_space<vmem>>
      %dma_wait3A_132 = arith.constant 0 : i32
      %dma_wait3A_133 = arith.constant 0 : i32
      %dma_wait3A_134 = tpu.memref_slice %arg3[%add3A, %run_scoped3A, %dma_wait3A_132, %dma_wait3A_133] : memref<32x125x2x80xi32, #tpu.memory_space<hbm>> -> memref<1x1x2x80xi32, #tpu.memory_space<hbm>>
      %dma_wait3A_135 = tpu.memref_squeeze %dma_wait3A_134 : memref<1x1x2x80xi32, #tpu.memory_space<hbm>> -> memref<2x80xi32, #tpu.memory_space<hbm>>
      tpu.wait_dma2 semaphore(%run_scoped3A_103 : memref<!tpu.dma_semaphore, #tpu.memory_space<semaphore_mem>>) src(%dma_wait3A_135 : memref<2x80xi32, #tpu.memory_space<hbm>>) dst(%dma_wait3A_131 : memref<2x80xi32, #tpu.memory_space<vmem>>)
      tpu.yield
    }) : () -> ()
    %dma_start3A = arith.constant 0 : i32
    %dma_start3A_27 = arith.constant 0 : i32
    %dma_start3A_28 = arith.constant 0 : i32
    %dma_start3A_29 = arith.constant 0 : i32
    %dma_start3A_30 = tpu.memref_slice %arg7[%dma_start3A_28, %dma_start3A_29] : memref<160x128xf32, #tpu.memory_space<vmem>> -> memref<80x128xf32, #tpu.memory_space<vmem>>
    %dma_start3A_31 = arith.constant 0 : i32
    %dma_start3A_32 = tpu.memref_slice %arg6[%dma_start3A, %dma_start3A_27, %dma_start3A_31] : memref<4x2x80xi32, #tpu.memory_space<vmem>> -> memref<1x1x80xi32, #tpu.memory_space<vmem>>
    %dma_start3A_33 = tpu.memref_squeeze %dma_start3A_32 : memref<1x1x80xi32, #tpu.memory_space<vmem>> -> memref<80xi32, #tpu.memory_space<vmem>>
    %dma_start3A_34 = arith.constant 0 : i32
    %dma_start3A_35 = arith.constant 0 : i32
    %dma_start3A_36 = tpu.memref_slice %arg2[%dma_start3A_34, %dma_start3A_35] : memref<10000x128xf32, #tpu.memory_space<hbm>> -> memref<10000x128xf32, #tpu.memory_space<hbm>>
    tpu.enqueue_indirect_dma source(%dma_start3A_36 : memref<10000x128xf32, #tpu.memory_space<hbm>>) target(%dma_start3A_30 : memref<80x128xf32, #tpu.memory_space<vmem>>) offsets(%dma_start3A_33 : memref<80xi32, #tpu.memory_space<vmem>>) semaphore(%arg11 : memref<!tpu.dma_semaphore, #tpu.memory_space<semaphore_mem>>)
    %add3A_37 = arith.constant 0 : i32
    %add3A_38 = arith.addi %mul3A_25, %add3A_37 : i32
    %dma_start3A_39 = arith.constant 0 : i32
    %dma_start3A_40 = tpu.memref_slice %arg4[%add3A_38, %dma_start3A_39] : memref<320000x128xf32, #tpu.memory_space<hbm>> -> memref<80x128xf32, #tpu.memory_space<hbm>>
    %dma_start3A_41 = arith.constant 0 : i32
    %dma_start3A_42 = tpu.memref_slice %arg4[%add3A_38, %dma_start3A_41] : memref<320000x128xf32, #tpu.memory_space<hbm>> -> memref<80x128xf32, #tpu.memory_space<hbm>>
    tpu.enqueue_dma source(%dma_start3A_42 : memref<80x128xf32, #tpu.memory_space<hbm>>) target(%arg8 : memref<80x128xf32, #tpu.memory_space<vmem>>) target_semaphore(%arg11 : memref<!tpu.dma_semaphore, #tpu.memory_space<semaphore_mem>>)
    %dma_start3A_43 = arith.constant 1 : i32
    %dma_start3A_44 = arith.constant 1 : i32
    %dma_start3A_45 = arith.constant 0 : i32
    %dma_start3A_46 = arith.constant 0 : i32
    %dma_start3A_47 = tpu.memref_slice %arg6[%dma_start3A_44, %dma_start3A_45, %dma_start3A_46] : memref<4x2x80xi32, #tpu.memory_space<vmem>> -> memref<1x2x80xi32, #tpu.memory_space<vmem>>
    %dma_start3A_48 = tpu.memref_squeeze %dma_start3A_47 : memref<1x2x80xi32, #tpu.memory_space<vmem>> -> memref<2x80xi32, #tpu.memory_space<vmem>>
    %dma_start3A_49 = arith.constant 0 : i32
    %dma_start3A_50 = arith.constant 0 : i32
    %dma_start3A_51 = tpu.memref_slice %arg3[%add3A, %dma_start3A_43, %dma_start3A_49, %dma_start3A_50] : memref<32x125x2x80xi32, #tpu.memory_space<hbm>> -> memref<1x1x2x80xi32, #tpu.memory_space<hbm>>
    %dma_start3A_52 = tpu.memref_squeeze %dma_start3A_51 : memref<1x1x2x80xi32, #tpu.memory_space<hbm>> -> memref<2x80xi32, #tpu.memory_space<hbm>>
    %dma_start3A_53 = arith.constant 0 : i32
    %dma_start3A_54 = arith.constant 0 : i32
    %dma_start3A_55 = tpu.memref_slice %arg6[%dma_start3A_44, %dma_start3A_53, %dma_start3A_54] : memref<4x2x80xi32, #tpu.memory_space<vmem>> -> memref<1x2x80xi32, #tpu.memory_space<vmem>>
    %dma_start3A_56 = tpu.memref_squeeze %dma_start3A_55 : memref<1x2x80xi32, #tpu.memory_space<vmem>> -> memref<2x80xi32, #tpu.memory_space<vmem>>
    %dma_start3A_57 = arith.constant 0 : i32
    %dma_start3A_58 = arith.constant 0 : i32
    %dma_start3A_59 = tpu.memref_slice %arg3[%add3A, %dma_start3A_43, %dma_start3A_57, %dma_start3A_58] : memref<32x125x2x80xi32, #tpu.memory_space<hbm>> -> memref<1x1x2x80xi32, #tpu.memory_space<hbm>>
    %dma_start3A_60 = tpu.memref_squeeze %dma_start3A_59 : memref<1x1x2x80xi32, #tpu.memory_space<hbm>> -> memref<2x80xi32, #tpu.memory_space<hbm>>
    tpu.enqueue_dma source(%dma_start3A_60 : memref<2x80xi32, #tpu.memory_space<hbm>>) target(%dma_start3A_56 : memref<2x80xi32, #tpu.memory_space<vmem>>) target_semaphore(%arg10 : memref<!tpu.dma_semaphore, #tpu.memory_space<semaphore_mem>>)
    %dma_start3A_61 = arith.constant 2 : i32
    %dma_start3A_62 = arith.constant 2 : i32
    %dma_start3A_63 = arith.constant 0 : i32
    %dma_start3A_64 = arith.constant 0 : i32
    %dma_start3A_65 = tpu.memref_slice %arg6[%dma_start3A_62, %dma_start3A_63, %dma_start3A_64] : memref<4x2x80xi32, #tpu.memory_space<vmem>> -> memref<1x2x80xi32, #tpu.memory_space<vmem>>
    %dma_start3A_66 = tpu.memref_squeeze %dma_start3A_65 : memref<1x2x80xi32, #tpu.memory_space<vmem>> -> memref<2x80xi32, #tpu.memory_space<vmem>>
    %dma_start3A_67 = arith.constant 0 : i32
    %dma_start3A_68 = arith.constant 0 : i32
    %dma_start3A_69 = tpu.memref_slice %arg3[%add3A, %dma_start3A_61, %dma_start3A_67, %dma_start3A_68] : memref<32x125x2x80xi32, #tpu.memory_space<hbm>> -> memref<1x1x2x80xi32, #tpu.memory_space<hbm>>
    %dma_start3A_70 = tpu.memref_squeeze %dma_start3A_69 : memref<1x1x2x80xi32, #tpu.memory_space<hbm>> -> memref<2x80xi32, #tpu.memory_space<hbm>>
    %dma_start3A_71 = arith.constant 0 : i32
    %dma_start3A_72 = arith.constant 0 : i32
    %dma_start3A_73 = tpu.memref_slice %arg6[%dma_start3A_62, %dma_start3A_71, %dma_start3A_72] : memref<4x2x80xi32, #tpu.memory_space<vmem>> -> memref<1x2x80xi32, #tpu.memory_space<vmem>>
    %dma_start3A_74 = tpu.memref_squeeze %dma_start3A_73 : memref<1x2x80xi32, #tpu.memory_space<vmem>> -> memref<2x80xi32, #tpu.memory_space<vmem>>
    %dma_start3A_75 = arith.constant 0 : i32
    %dma_start3A_76 = arith.constant 0 : i32
    %dma_start3A_77 = tpu.memref_slice %arg3[%add3A, %dma_start3A_61, %dma_start3A_75, %dma_start3A_76] : memref<32x125x2x80xi32, #tpu.memory_space<hbm>> -> memref<1x1x2x80xi32, #tpu.memory_space<hbm>>
    %dma_start3A_78 = tpu.memref_squeeze %dma_start3A_77 : memref<1x1x2x80xi32, #tpu.memory_space<hbm>> -> memref<2x80xi32, #tpu.memory_space<hbm>>
    tpu.enqueue_dma source(%dma_start3A_78 : memref<2x80xi32, #tpu.memory_space<hbm>>) target(%dma_start3A_74 : memref<2x80xi32, #tpu.memory_space<vmem>>) target_semaphore(%arg10 : memref<!tpu.dma_semaphore, #tpu.memory_space<semaphore_mem>>)
    %scan3A_79 = arith.constant 0 : i32
    %scan3A_80 = arith.constant 0 : i32
    %scan3A_81 = arith.constant 125 : i32
    %scan3A_82 = arith.addi %scan3A_80, %scan3A_81 : i32
    %scan3A_83 = arith.constant 1 : i32
    scf.for %scan3A_103 = %scan3A_80 to %scan3A_82 step %scan3A_83  : i32 {
      %jit3A = arith.constant 2 : i32
      %eq3A_104 = arith.constant 0 : i32
      %eq3A_105 = arith.cmpi eq, %jit3A, %eq3A_104 : i32
      %jit3A_106 = arith.constant 1 : i32
      %select_n3A = arith.select %eq3A_105, %jit3A_106, %jit3A : i32
      %rem3A = arith.remsi %scan3A_103, %select_n3A : i32
      %ne3A = arith.constant 0 : i32
      %ne3A_107 = arith.cmpi ne, %rem3A, %ne3A : i32
      %lt3A_108 = arith.constant 0 : i32
      %lt3A_109 = arith.cmpi slt, %rem3A, %lt3A_108 : i32
      %lt3A_110 = arith.constant 0 : i32
      %lt3A_111 = arith.cmpi slt, %select_n3A, %lt3A_110 : i32
      %ne3A_112 = arith.xori %lt3A_109, %lt3A_111 : i1
      %and3A = arith.andi %ne3A_112, %ne3A_107 : i1
      %add3A_113 = arith.addi %rem3A, %select_n3A : i32
      %select_n3A_114 = arith.select %and3A, %add3A_113, %rem3A : i32
      %jit3A_115 = arith.constant 4 : i32
      %eq3A_116 = arith.constant 0 : i32
      %eq3A_117 = arith.cmpi eq, %jit3A_115, %eq3A_116 : i32
      %jit3A_118 = arith.constant 1 : i32
      %select_n3A_119 = arith.select %eq3A_117, %jit3A_118, %jit3A_115 : i32
      %rem3A_120 = arith.remsi %scan3A_103, %select_n3A_119 : i32
      %ne3A_121 = arith.constant 0 : i32
      %ne3A_122 = arith.cmpi ne, %rem3A_120, %ne3A_121 : i32
      %lt3A_123 = arith.constant 0 : i32
      %lt3A_124 = arith.cmpi slt, %rem3A_120, %lt3A_123 : i32
      %lt3A_125 = arith.constant 0 : i32
      %lt3A_126 = arith.cmpi slt, %select_n3A_119, %lt3A_125 : i32
      %ne3A_127 = arith.xori %lt3A_124, %lt3A_126 : i1
      %and3A_128 = arith.andi %ne3A_127, %ne3A_122 : i1
      %add3A_129 = arith.addi %rem3A_120, %select_n3A_119 : i32
      %select_n3A_130 = arith.select %and3A_128, %add3A_129, %rem3A_120 : i32
      %add3A_131 = arith.constant 1 : i32
      %add3A_132 = arith.addi %scan3A_103, %add3A_131 : i32
      %jit3A_133 = arith.constant 4 : i32
      %eq3A_134 = arith.constant 0 : i32
      %eq3A_135 = arith.cmpi eq, %jit3A_133, %eq3A_134 : i32
      %jit3A_136 = arith.constant 1 : i32
      %select_n3A_137 = arith.select %eq3A_135, %jit3A_136, %jit3A_133 : i32
      %rem3A_138 = arith.remsi %add3A_132, %select_n3A_137 : i32
      %ne3A_139 = arith.constant 0 : i32
      %ne3A_140 = arith.cmpi ne, %rem3A_138, %ne3A_139 : i32
      %lt3A_141 = arith.constant 0 : i32
      %lt3A_142 = arith.cmpi slt, %rem3A_138, %lt3A_141 : i32
      %lt3A_143 = arith.constant 0 : i32
      %lt3A_144 = arith.cmpi slt, %select_n3A_137, %lt3A_143 : i32
      %ne3A_145 = arith.xori %lt3A_142, %lt3A_144 : i1
      %and3A_146 = arith.andi %ne3A_145, %ne3A_140 : i1
      %add3A_147 = arith.addi %rem3A_138, %select_n3A_137 : i32
      %select_n3A_148 = arith.select %and3A_146, %add3A_147, %rem3A_138 : i32
      %add3A_149 = arith.constant 1 : i32
      %add3A_150 = arith.addi %scan3A_103, %add3A_149 : i32
      %lt3A_151 = arith.constant 125 : i32
      %lt3A_152 = arith.cmpi slt, %add3A_150, %lt3A_151 : i32
      %ge3A = arith.constant 1 : i32
      %ge3A_153 = arith.cmpi sge, %scan3A_103, %ge3A : i32
      %convert_element_type3A_154 = arith.extui %ge3A_153 : i1 to i32
      %cond3A_155 = arith.constant 0 : i32
      %cond3A_156 = arith.cmpi ne, %convert_element_type3A_154, %cond3A_155 : i32
      scf.if %cond3A_156 {
        %mul3A_267 = arith.constant 80 : i32
        %mul3A_268 = arith.muli %scan3A_103, %mul3A_267 : i32
        %add3A_269 = arith.addi %mul3A_25, %mul3A_268 : i32
        %dma_start3A_270 = arith.constant 0 : i32
        %dma_start3A_271 = tpu.memref_slice %arg4[%add3A_269, %dma_start3A_270] : memref<320000x128xf32, #tpu.memory_space<hbm>> -> memref<80x128xf32, #tpu.memory_space<hbm>>
        %dma_start3A_272 = arith.constant 0 : i32
        %dma_start3A_273 = tpu.memref_slice %arg4[%add3A_269, %dma_start3A_272] : memref<320000x128xf32, #tpu.memory_space<hbm>> -> memref<80x128xf32, #tpu.memory_space<hbm>>
        tpu.enqueue_dma source(%dma_start3A_273 : memref<80x128xf32, #tpu.memory_space<hbm>>) target(%arg8 : memref<80x128xf32, #tpu.memory_space<vmem>>) target_semaphore(%arg11 : memref<!tpu.dma_semaphore, #tpu.memory_space<semaphore_mem>>)
        %dma_wait3A_274 = arith.constant 0 : i32
        %dma_wait3A_275 = arith.constant 0 : i32
        %dma_wait3A_276 = tpu.memref_slice %arg7[%dma_wait3A_274, %dma_wait3A_275] : memref<160x128xf32, #tpu.memory_space<vmem>> -> memref<80x128xf32, #tpu.memory_space<vmem>>
        %dma_wait3A_277 = arith.constant 0 : i32
        %dma_wait3A_278 = arith.constant 0 : i32
        %dma_wait3A_279 = tpu.memref_slice %arg4[%dma_wait3A_277, %dma_wait3A_278] : memref<320000x128xf32, #tpu.memory_space<hbm>> -> memref<80x128xf32, #tpu.memory_space<hbm>>
        %dma_wait3A_280 = arith.constant 0 : i32
        %dma_wait3A_281 = arith.constant 0 : i32
        %dma_wait3A_282 = tpu.memref_slice %arg7[%dma_wait3A_280, %dma_wait3A_281] : memref<160x128xf32, #tpu.memory_space<vmem>> -> memref<80x128xf32, #tpu.memory_space<vmem>>
        %dma_wait3A_283 = arith.constant 0 : i32
        %dma_wait3A_284 = arith.constant 0 : i32
        %dma_wait3A_285 = tpu.memref_slice %arg4[%dma_wait3A_283, %dma_wait3A_284] : memref<320000x128xf32, #tpu.memory_space<hbm>> -> memref<80x128xf32, #tpu.memory_space<hbm>>
        tpu.wait_dma2 semaphore(%arg12 : memref<!tpu.dma_semaphore, #tpu.memory_space<semaphore_mem>>) src(%dma_wait3A_285 : memref<80x128xf32, #tpu.memory_space<hbm>>) dst(%dma_wait3A_282 : memref<80x128xf32, #tpu.memory_space<vmem>>)
      } else {
      }
      %convert_element_type3A_157 = arith.extui %lt3A_152 : i1 to i32
      %cond3A_158 = arith.constant 0 : i32
      %cond3A_159 = arith.cmpi ne, %convert_element_type3A_157, %cond3A_158 : i32
      scf.if %cond3A_159 {
        %add3A_267 = arith.constant 1 : i32
        %add3A_268 = arith.addi %scan3A_103, %add3A_267 : i32
        %dma_wait3A_269 = arith.constant 0 : i32
        %dma_wait3A_270 = arith.constant 0 : i32
        %dma_wait3A_271 = tpu.memref_slice %arg6[%select_n3A_148, %dma_wait3A_269, %dma_wait3A_270] : memref<4x2x80xi32, #tpu.memory_space<vmem>> -> memref<1x2x80xi32, #tpu.memory_space<vmem>>
        %dma_wait3A_272 = tpu.memref_squeeze %dma_wait3A_271 : memref<1x2x80xi32, #tpu.memory_space<vmem>> -> memref<2x80xi32, #tpu.memory_space<vmem>>
        %dma_wait3A_273 = arith.constant 0 : i32
        %dma_wait3A_274 = arith.constant 0 : i32
        %dma_wait3A_275 = tpu.memref_slice %arg3[%add3A, %add3A_268, %dma_wait3A_273, %dma_wait3A_274] : memref<32x125x2x80xi32, #tpu.memory_space<hbm>> -> memref<1x1x2x80xi32, #tpu.memory_space<hbm>>
        %dma_wait3A_276 = tpu.memref_squeeze %dma_wait3A_275 : memref<1x1x2x80xi32, #tpu.memory_space<hbm>> -> memref<2x80xi32, #tpu.memory_space<hbm>>
        %dma_wait3A_277 = arith.constant 0 : i32
        %dma_wait3A_278 = arith.constant 0 : i32
        %dma_wait3A_279 = tpu.memref_slice %arg6[%select_n3A_148, %dma_wait3A_277, %dma_wait3A_278] : memref<4x2x80xi32, #tpu.memory_space<vmem>> -> memref<1x2x80xi32, #tpu.memory_space<vmem>>
        %dma_wait3A_280 = tpu.memref_squeeze %dma_wait3A_279 : memref<1x2x80xi32, #tpu.memory_space<vmem>> -> memref<2x80xi32, #tpu.memory_space<vmem>>
        %dma_wait3A_281 = arith.constant 0 : i32
        %dma_wait3A_282 = arith.constant 0 : i32
        %dma_wait3A_283 = tpu.memref_slice %arg3[%add3A, %add3A_268, %dma_wait3A_281, %dma_wait3A_282] : memref<32x125x2x80xi32, #tpu.memory_space<hbm>> -> memref<1x1x2x80xi32, #tpu.memory_space<hbm>>
        %dma_wait3A_284 = tpu.memref_squeeze %dma_wait3A_283 : memref<1x1x2x80xi32, #tpu.memory_space<hbm>> -> memref<2x80xi32, #tpu.memory_space<hbm>>
        tpu.wait_dma2 semaphore(%arg10 : memref<!tpu.dma_semaphore, #tpu.memory_space<semaphore_mem>>) src(%dma_wait3A_284 : memref<2x80xi32, #tpu.memory_space<hbm>>) dst(%dma_wait3A_280 : memref<2x80xi32, #tpu.memory_space<vmem>>)
      } else {
      }
      %add3A_160 = arith.constant 3 : i32
      %add3A_161 = arith.addi %scan3A_103, %add3A_160 : i32
      %lt3A_162 = arith.constant 125 : i32
      %lt3A_163 = arith.cmpi slt, %add3A_161, %lt3A_162 : i32
      %convert_element_type3A_164 = arith.extui %lt3A_163 : i1 to i32
      %cond3A_165 = arith.constant 0 : i32
      %cond3A_166 = arith.cmpi ne, %convert_element_type3A_164, %cond3A_165 : i32
      scf.if %cond3A_166 {
        %add3A_267 = arith.constant 3 : i32
        %add3A_268 = arith.addi %scan3A_103, %add3A_267 : i32
        %add3A_269 = arith.constant 3 : i32
        %add3A_270 = arith.addi %scan3A_103, %add3A_269 : i32
        %jit3A_271 = arith.constant 4 : i32
        %eq3A_272 = arith.constant 0 : i32
        %eq3A_273 = arith.cmpi eq, %jit3A_271, %eq3A_272 : i32
        %jit3A_274 = arith.constant 1 : i32
        %select_n3A_275 = arith.select %eq3A_273, %jit3A_274, %jit3A_271 : i32
        %rem3A_276 = arith.remsi %add3A_270, %select_n3A_275 : i32
        %ne3A_277 = arith.constant 0 : i32
        %ne3A_278 = arith.cmpi ne, %rem3A_276, %ne3A_277 : i32
        %lt3A_279 = arith.constant 0 : i32
        %lt3A_280 = arith.cmpi slt, %rem3A_276, %lt3A_279 : i32
        %lt3A_281 = arith.constant 0 : i32
        %lt3A_282 = arith.cmpi slt, %select_n3A_275, %lt3A_281 : i32
        %ne3A_283 = arith.xori %lt3A_280, %lt3A_282 : i1
        %and3A_284 = arith.andi %ne3A_283, %ne3A_278 : i1
        %add3A_285 = arith.addi %rem3A_276, %select_n3A_275 : i32
        %select_n3A_286 = arith.select %and3A_284, %add3A_285, %rem3A_276 : i32
        %dma_start3A_287 = arith.constant 0 : i32
        %dma_start3A_288 = arith.constant 0 : i32
        %dma_start3A_289 = tpu.memref_slice %arg6[%select_n3A_286, %dma_start3A_287, %dma_start3A_288] : memref<4x2x80xi32, #tpu.memory_space<vmem>> -> memref<1x2x80xi32, #tpu.memory_space<vmem>>
        %dma_start3A_290 = tpu.memref_squeeze %dma_start3A_289 : memref<1x2x80xi32, #tpu.memory_space<vmem>> -> memref<2x80xi32, #tpu.memory_space<vmem>>
        %dma_start3A_291 = arith.constant 0 : i32
        %dma_start3A_292 = arith.constant 0 : i32
        %dma_start3A_293 = tpu.memref_slice %arg3[%add3A, %add3A_268, %dma_start3A_291, %dma_start3A_292] : memref<32x125x2x80xi32, #tpu.memory_space<hbm>> -> memref<1x1x2x80xi32, #tpu.memory_space<hbm>>
        %dma_start3A_294 = tpu.memref_squeeze %dma_start3A_293 : memref<1x1x2x80xi32, #tpu.memory_space<hbm>> -> memref<2x80xi32, #tpu.memory_space<hbm>>
        %dma_start3A_295 = arith.constant 0 : i32
        %dma_start3A_296 = arith.constant 0 : i32
        %dma_start3A_297 = tpu.memref_slice %arg6[%select_n3A_286, %dma_start3A_295, %dma_start3A_296] : memref<4x2x80xi32, #tpu.memory_space<vmem>> -> memref<1x2x80xi32, #tpu.memory_space<vmem>>
        %dma_start3A_298 = tpu.memref_squeeze %dma_start3A_297 : memref<1x2x80xi32, #tpu.memory_space<vmem>> -> memref<2x80xi32, #tpu.memory_space<vmem>>
        %dma_start3A_299 = arith.constant 0 : i32
        %dma_start3A_300 = arith.constant 0 : i32
        %dma_start3A_301 = tpu.memref_slice %arg3[%add3A, %add3A_268, %dma_start3A_299, %dma_start3A_300] : memref<32x125x2x80xi32, #tpu.memory_space<hbm>> -> memref<1x1x2x80xi32, #tpu.memory_space<hbm>>
        %dma_start3A_302 = tpu.memref_squeeze %dma_start3A_301 : memref<1x1x2x80xi32, #tpu.memory_space<hbm>> -> memref<2x80xi32, #tpu.memory_space<hbm>>
        tpu.enqueue_dma source(%dma_start3A_302 : memref<2x80xi32, #tpu.memory_space<hbm>>) target(%dma_start3A_298 : memref<2x80xi32, #tpu.memory_space<vmem>>) target_semaphore(%arg10 : memref<!tpu.dma_semaphore, #tpu.memory_space<semaphore_mem>>)
      } else {
      }
      %dma_wait3A_167 = arith.constant 0 : i32
      %dma_wait3A_168 = arith.constant 0 : i32
      %dma_wait3A_169 = tpu.memref_slice %arg4[%dma_wait3A_167, %dma_wait3A_168] : memref<320000x128xf32, #tpu.memory_space<hbm>> -> memref<160x128xf32, #tpu.memory_space<hbm>>
      %dma_wait3A_170 = arith.constant 0 : i32
      %dma_wait3A_171 = arith.constant 0 : i32
      %dma_wait3A_172 = tpu.memref_slice %arg4[%dma_wait3A_170, %dma_wait3A_171] : memref<320000x128xf32, #tpu.memory_space<hbm>> -> memref<160x128xf32, #tpu.memory_space<hbm>>
      tpu.wait_dma2 semaphore(%arg11 : memref<!tpu.dma_semaphore, #tpu.memory_space<semaphore_mem>>) src(%dma_wait3A_172 : memref<160x128xf32, #tpu.memory_space<hbm>>) dst(%arg7 : memref<160x128xf32, #tpu.memory_space<vmem>>)
      %convert_element_type3A_173 = arith.extui %lt3A_152 : i1 to i32
      %cond3A_174 = arith.constant 0 : i32
      %cond3A_175 = arith.cmpi ne, %convert_element_type3A_173, %cond3A_174 : i32
      scf.if %cond3A_175 {
        %sub3A = arith.constant 1 : i32
        %sub3A_267 = arith.subi %sub3A, %select_n3A_114 : i32
        %mul3A_268 = arith.constant 80 : i32
        %mul3A_269 = arith.muli %sub3A_267, %mul3A_268 : i32
        %dma_start3A_270 = arith.constant 0 : i32
        %dma_start3A_271 = arith.constant 0 : i32
        %dma_start3A_272 = tpu.memref_slice %arg7[%mul3A_269, %dma_start3A_271] : memref<160x128xf32, #tpu.memory_space<vmem>> -> memref<80x128xf32, #tpu.memory_space<vmem>>
        %dma_start3A_273 = arith.constant 0 : i32
        %dma_start3A_274 = tpu.memref_slice %arg6[%select_n3A_148, %dma_start3A_270, %dma_start3A_273] : memref<4x2x80xi32, #tpu.memory_space<vmem>> -> memref<1x1x80xi32, #tpu.memory_space<vmem>>
        %dma_start3A_275 = tpu.memref_squeeze %dma_start3A_274 : memref<1x1x80xi32, #tpu.memory_space<vmem>> -> memref<80xi32, #tpu.memory_space<vmem>>
        %dma_start3A_276 = arith.constant 0 : i32
        %dma_start3A_277 = arith.constant 0 : i32
        %dma_start3A_278 = tpu.memref_slice %arg2[%dma_start3A_276, %dma_start3A_277] : memref<10000x128xf32, #tpu.memory_space<hbm>> -> memref<10000x128xf32, #tpu.memory_space<hbm>>
        tpu.enqueue_indirect_dma source(%dma_start3A_278 : memref<10000x128xf32, #tpu.memory_space<hbm>>) target(%dma_start3A_272 : memref<80x128xf32, #tpu.memory_space<vmem>>) offsets(%dma_start3A_275 : memref<80xi32, #tpu.memory_space<vmem>>) semaphore(%arg11 : memref<!tpu.dma_semaphore, #tpu.memory_space<semaphore_mem>>)
      } else {
      }
      %parallel_loop3A = arith.constant 0 : i32
      %parallel_loop3A_176 = arith.constant 80 : i32
      %parallel_loop3A_177 = arith.constant 1 : i32
      scf.for %parallel_loop3A_267 = %parallel_loop3A to %parallel_loop3A_176 step %parallel_loop3A_177  : i32 {
        %parallel_loop3A_268 = arith.constant 80 : i32
        %parallel_loop3A_269 = arith.muli %select_n3A_114, %parallel_loop3A_268 : i32
        %parallel_loop3A_270 = arith.addi %parallel_loop3A_269, %parallel_loop3A_267 : i32
        %parallel_loop3A_271 = arith.index_cast %parallel_loop3A_270 : i32 to index
        %parallel_loop3A_272 = arith.constant 0 : index
        %parallel_loop3A_273 = tpu.vector_load %arg7[%parallel_loop3A_271, %parallel_loop3A_272] {strides = array<i32>} : memref<160x128xf32, #tpu.memory_space<vmem>>, vector<1x16xf32>,
        %parallel_loop3A_274 = vector.shape_cast %parallel_loop3A_273 : vector<1x16xf32> to vector<16xf32>
        %parallel_loop3A_275 = arith.index_cast %parallel_loop3A_267 : i32 to index
        %parallel_loop3A_276 = arith.constant 0 : index
        %parallel_loop3A_277 = tpu.vector_load %arg8[%parallel_loop3A_275, %parallel_loop3A_276] {strides = array<i32>} : memref<80x128xf32, #tpu.memory_space<vmem>>, vector<1x16xf32>,
        %parallel_loop3A_278 = vector.shape_cast %parallel_loop3A_277 : vector<1x16xf32> to vector<16xf32>
        %parallel_loop3A_279 = arith.addf %parallel_loop3A_274, %parallel_loop3A_278 : vector<16xf32>
        %parallel_loop3A_280 = arith.constant 80 : i32
        %parallel_loop3A_281 = arith.muli %select_n3A_114, %parallel_loop3A_280 : i32
        %parallel_loop3A_282 = arith.addi %parallel_loop3A_281, %parallel_loop3A_267 : i32
        %parallel_loop3A_283 = arith.index_cast %parallel_loop3A_282 : i32 to index
        %parallel_loop3A_284 = arith.constant 0 : index
        %parallel_loop3A_285 = tpu.vector_load %arg7[%parallel_loop3A_283, %parallel_loop3A_284] {strides = array<i32>} : memref<160x128xf32, #tpu.memory_space<vmem>>, vector<1x16xf32>,
        %parallel_loop3A_286 = vector.shape_cast %parallel_loop3A_285 : vector<1x16xf32> to vector<16xf32>
        %parallel_loop3A_287 = vector.shape_cast %parallel_loop3A_279 : vector<16xf32> to vector<1x16xf32>
        tpu.vector_store %arg7[%parallel_loop3A_283, %parallel_loop3A_284], %parallel_loop3A_287 {strides = array<i32>} : memref<160x128xf32, #tpu.memory_space<vmem>>, vector<1x16xf32>,
        %parallel_loop3A_288 = arith.constant 80 : i32
        %parallel_loop3A_289 = arith.muli %select_n3A_114, %parallel_loop3A_288 : i32
        %parallel_loop3A_290 = arith.addi %parallel_loop3A_289, %parallel_loop3A_267 : i32
        %parallel_loop3A_291 = arith.index_cast %parallel_loop3A_290 : i32 to index
        %parallel_loop3A_292 = arith.constant 16 : index
        %parallel_loop3A_293 = tpu.vector_load %arg7[%parallel_loop3A_291, %parallel_loop3A_292] {strides = array<i32>} : memref<160x128xf32, #tpu.memory_space<vmem>>, vector<1x16xf32>,
        %parallel_loop3A_294 = vector.shape_cast %parallel_loop3A_293 : vector<1x16xf32> to vector<16xf32>
        %parallel_loop3A_295 = arith.index_cast %parallel_loop3A_267 : i32 to index
        %parallel_loop3A_296 = arith.constant 16 : index
        %parallel_loop3A_297 = tpu.vector_load %arg8[%parallel_loop3A_295, %parallel_loop3A_296] {strides = array<i32>} : memref<80x128xf32, #tpu.memory_space<vmem>>, vector<1x16xf32>,
        %parallel_loop3A_298 = vector.shape_cast %parallel_loop3A_297 : vector<1x16xf32> to vector<16xf32>
        %parallel_loop3A_299 = arith.addf %parallel_loop3A_294, %parallel_loop3A_298 : vector<16xf32>
        %parallel_loop3A_300 = arith.constant 80 : i32
        %parallel_loop3A_301 = arith.muli %select_n3A_114, %parallel_loop3A_300 : i32
        %parallel_loop3A_302 = arith.addi %parallel_loop3A_301, %parallel_loop3A_267 : i32
        %parallel_loop3A_303 = arith.index_cast %parallel_loop3A_302 : i32 to index
        %parallel_loop3A_304 = arith.constant 16 : index
        %parallel_loop3A_305 = tpu.vector_load %arg7[%parallel_loop3A_303, %parallel_loop3A_304] {strides = array<i32>} : memref<160x128xf32, #tpu.memory_space<vmem>>, vector<1x16xf32>,
        %parallel_loop3A_306 = vector.shape_cast %parallel_loop3A_305 : vector<1x16xf32> to vector<16xf32>
        %parallel_loop3A_307 = vector.shape_cast %parallel_loop3A_299 : vector<16xf32> to vector<1x16xf32>
        tpu.vector_store %arg7[%parallel_loop3A_303, %parallel_loop3A_304], %parallel_loop3A_307 {strides = array<i32>} : memref<160x128xf32, #tpu.memory_space<vmem>>, vector<1x16xf32>,
        %parallel_loop3A_308 = arith.constant 80 : i32
        %parallel_loop3A_309 = arith.muli %select_n3A_114, %parallel_loop3A_308 : i32
        %parallel_loop3A_310 = arith.addi %parallel_loop3A_309, %parallel_loop3A_267 : i32
        %parallel_loop3A_311 = arith.index_cast %parallel_loop3A_310 : i32 to index
        %parallel_loop3A_312 = arith.constant 32 : index
        %parallel_loop3A_313 = tpu.vector_load %arg7[%parallel_loop3A_311, %parallel_loop3A_312] {strides = array<i32>} : memref<160x128xf32, #tpu.memory_space<vmem>>, vector<1x16xf32>,
        %parallel_loop3A_314 = vector.shape_cast %parallel_loop3A_313 : vector<1x16xf32> to vector<16xf32>
        %parallel_loop3A_315 = arith.index_cast %parallel_loop3A_267 : i32 to index
        %parallel_loop3A_316 = arith.constant 32 : index
        %parallel_loop3A_317 = tpu.vector_load %arg8[%parallel_loop3A_315, %parallel_loop3A_316] {strides = array<i32>} : memref<80x128xf32, #tpu.memory_space<vmem>>, vector<1x16xf32>,
        %parallel_loop3A_318 = vector.shape_cast %parallel_loop3A_317 : vector<1x16xf32> to vector<16xf32>
        %parallel_loop3A_319 = arith.addf %parallel_loop3A_314, %parallel_loop3A_318 : vector<16xf32>
        %parallel_loop3A_320 = arith.constant 80 : i32
        %parallel_loop3A_321 = arith.muli %select_n3A_114, %parallel_loop3A_320 : i32
        %parallel_loop3A_322 = arith.addi %parallel_loop3A_321, %parallel_loop3A_267 : i32
        %parallel_loop3A_323 = arith.index_cast %parallel_loop3A_322 : i32 to index
        %parallel_loop3A_324 = arith.constant 32 : index
        %parallel_loop3A_325 = tpu.vector_load %arg7[%parallel_loop3A_323, %parallel_loop3A_324] {strides = array<i32>} : memref<160x128xf32, #tpu.memory_space<vmem>>, vector<1x16xf32>,
        %parallel_loop3A_326 = vector.shape_cast %parallel_loop3A_325 : vector<1x16xf32> to vector<16xf32>
        %parallel_loop3A_327 = vector.shape_cast %parallel_loop3A_319 : vector<16xf32> to vector<1x16xf32>
        tpu.vector_store %arg7[%parallel_loop3A_323, %parallel_loop3A_324], %parallel_loop3A_327 {strides = array<i32>} : memref<160x128xf32, #tpu.memory_space<vmem>>, vector<1x16xf32>,
        %parallel_loop3A_328 = arith.constant 80 : i32
        %parallel_loop3A_329 = arith.muli %select_n3A_114, %parallel_loop3A_328 : i32
        %parallel_loop3A_330 = arith.addi %parallel_loop3A_329, %parallel_loop3A_267 : i32
        %parallel_loop3A_331 = arith.index_cast %parallel_loop3A_330 : i32 to index
        %parallel_loop3A_332 = arith.constant 48 : index
        %parallel_loop3A_333 = tpu.vector_load %arg7[%parallel_loop3A_331, %parallel_loop3A_332] {strides = array<i32>} : memref<160x128xf32, #tpu.memory_space<vmem>>, vector<1x16xf32>,
        %parallel_loop3A_334 = vector.shape_cast %parallel_loop3A_333 : vector<1x16xf32> to vector<16xf32>
        %parallel_loop3A_335 = arith.index_cast %parallel_loop3A_267 : i32 to index
        %parallel_loop3A_336 = arith.constant 48 : index
        %parallel_loop3A_337 = tpu.vector_load %arg8[%parallel_loop3A_335, %parallel_loop3A_336] {strides = array<i32>} : memref<80x128xf32, #tpu.memory_space<vmem>>, vector<1x16xf32>,
        %parallel_loop3A_338 = vector.shape_cast %parallel_loop3A_337 : vector<1x16xf32> to vector<16xf32>
        %parallel_loop3A_339 = arith.addf %parallel_loop3A_334, %parallel_loop3A_338 : vector<16xf32>
        %parallel_loop3A_340 = arith.constant 80 : i32
        %parallel_loop3A_341 = arith.muli %select_n3A_114, %parallel_loop3A_340 : i32
        %parallel_loop3A_342 = arith.addi %parallel_loop3A_341, %parallel_loop3A_267 : i32
        %parallel_loop3A_343 = arith.index_cast %parallel_loop3A_342 : i32 to index
        %parallel_loop3A_344 = arith.constant 48 : index
        %parallel_loop3A_345 = tpu.vector_load %arg7[%parallel_loop3A_343, %parallel_loop3A_344] {strides = array<i32>} : memref<160x128xf32, #tpu.memory_space<vmem>>, vector<1x16xf32>,
        %parallel_loop3A_346 = vector.shape_cast %parallel_loop3A_345 : vector<1x16xf32> to vector<16xf32>
        %parallel_loop3A_347 = vector.shape_cast %parallel_loop3A_339 : vector<16xf32> to vector<1x16xf32>
        tpu.vector_store %arg7[%parallel_loop3A_343, %parallel_loop3A_344], %parallel_loop3A_347 {strides = array<i32>} : memref<160x128xf32, #tpu.memory_space<vmem>>, vector<1x16xf32>,
        %parallel_loop3A_348 = arith.constant 80 : i32
        %parallel_loop3A_349 = arith.muli %select_n3A_114, %parallel_loop3A_348 : i32
        %parallel_loop3A_350 = arith.addi %parallel_loop3A_349, %parallel_loop3A_267 : i32
        %parallel_loop3A_351 = arith.index_cast %parallel_loop3A_350 : i32 to index
        %parallel_loop3A_352 = arith.constant 64 : index
        %parallel_loop3A_353 = tpu.vector_load %arg7[%parallel_loop3A_351, %parallel_loop3A_352] {strides = array<i32>} : memref<160x128xf32, #tpu.memory_space<vmem>>, vector<1x16xf32>,
        %parallel_loop3A_354 = vector.shape_cast %parallel_loop3A_353 : vector<1x16xf32> to vector<16xf32>
        %parallel_loop3A_355 = arith.index_cast %parallel_loop3A_267 : i32 to index
        %parallel_loop3A_356 = arith.constant 64 : index
        %parallel_loop3A_357 = tpu.vector_load %arg8[%parallel_loop3A_355, %parallel_loop3A_356] {strides = array<i32>} : memref<80x128xf32, #tpu.memory_space<vmem>>, vector<1x16xf32>,
        %parallel_loop3A_358 = vector.shape_cast %parallel_loop3A_357 : vector<1x16xf32> to vector<16xf32>
        %parallel_loop3A_359 = arith.addf %parallel_loop3A_354, %parallel_loop3A_358 : vector<16xf32>
        %parallel_loop3A_360 = arith.constant 80 : i32
        %parallel_loop3A_361 = arith.muli %select_n3A_114, %parallel_loop3A_360 : i32
        %parallel_loop3A_362 = arith.addi %parallel_loop3A_361, %parallel_loop3A_267 : i32
        %parallel_loop3A_363 = arith.index_cast %parallel_loop3A_362 : i32 to index
        %parallel_loop3A_364 = arith.constant 64 : index
        %parallel_loop3A_365 = tpu.vector_load %arg7[%parallel_loop3A_363, %parallel_loop3A_364] {strides = array<i32>} : memref<160x128xf32, #tpu.memory_space<vmem>>, vector<1x16xf32>,
        %parallel_loop3A_366 = vector.shape_cast %parallel_loop3A_365 : vector<1x16xf32> to vector<16xf32>
        %parallel_loop3A_367 = vector.shape_cast %parallel_loop3A_359 : vector<16xf32> to vector<1x16xf32>
        tpu.vector_store %arg7[%parallel_loop3A_363, %parallel_loop3A_364], %parallel_loop3A_367 {strides = array<i32>} : memref<160x128xf32, #tpu.memory_space<vmem>>, vector<1x16xf32>,
        %parallel_loop3A_368 = arith.constant 80 : i32
        %parallel_loop3A_369 = arith.muli %select_n3A_114, %parallel_loop3A_368 : i32
        %parallel_loop3A_370 = arith.addi %parallel_loop3A_369, %parallel_loop3A_267 : i32
        %parallel_loop3A_371 = arith.index_cast %parallel_loop3A_370 : i32 to index
        %parallel_loop3A_372 = arith.constant 80 : index
        %parallel_loop3A_373 = tpu.vector_load %arg7[%parallel_loop3A_371, %parallel_loop3A_372] {strides = array<i32>} : memref<160x128xf32, #tpu.memory_space<vmem>>, vector<1x16xf32>,
        %parallel_loop3A_374 = vector.shape_cast %parallel_loop3A_373 : vector<1x16xf32> to vector<16xf32>
        %parallel_loop3A_375 = arith.index_cast %parallel_loop3A_267 : i32 to index
        %parallel_loop3A_376 = arith.constant 80 : index
        %parallel_loop3A_377 = tpu.vector_load %arg8[%parallel_loop3A_375, %parallel_loop3A_376] {strides = array<i32>} : memref<80x128xf32, #tpu.memory_space<vmem>>, vector<1x16xf32>,
        %parallel_loop3A_378 = vector.shape_cast %parallel_loop3A_377 : vector<1x16xf32> to vector<16xf32>
        %parallel_loop3A_379 = arith.addf %parallel_loop3A_374, %parallel_loop3A_378 : vector<16xf32>
        %parallel_loop3A_380 = arith.constant 80 : i32
        %parallel_loop3A_381 = arith.muli %select_n3A_114, %parallel_loop3A_380 : i32
        %parallel_loop3A_382 = arith.addi %parallel_loop3A_381, %parallel_loop3A_267 : i32
        %parallel_loop3A_383 = arith.index_cast %parallel_loop3A_382 : i32 to index
        %parallel_loop3A_384 = arith.constant 80 : index
        %parallel_loop3A_385 = tpu.vector_load %arg7[%parallel_loop3A_383, %parallel_loop3A_384] {strides = array<i32>} : memref<160x128xf32, #tpu.memory_space<vmem>>, vector<1x16xf32>,
        %parallel_loop3A_386 = vector.shape_cast %parallel_loop3A_385 : vector<1x16xf32> to vector<16xf32>
        %parallel_loop3A_387 = vector.shape_cast %parallel_loop3A_379 : vector<16xf32> to vector<1x16xf32>
        tpu.vector_store %arg7[%parallel_loop3A_383, %parallel_loop3A_384], %parallel_loop3A_387 {strides = array<i32>} : memref<160x128xf32, #tpu.memory_space<vmem>>, vector<1x16xf32>,
        %parallel_loop3A_388 = arith.constant 80 : i32
        %parallel_loop3A_389 = arith.muli %select_n3A_114, %parallel_loop3A_388 : i32
        %parallel_loop3A_390 = arith.addi %parallel_loop3A_389, %parallel_loop3A_267 : i32
        %parallel_loop3A_391 = arith.index_cast %parallel_loop3A_390 : i32 to index
        %parallel_loop3A_392 = arith.constant 96 : index
        %parallel_loop3A_393 = tpu.vector_load %arg7[%parallel_loop3A_391, %parallel_loop3A_392] {strides = array<i32>} : memref<160x128xf32, #tpu.memory_space<vmem>>, vector<1x16xf32>,
        %parallel_loop3A_394 = vector.shape_cast %parallel_loop3A_393 : vector<1x16xf32> to vector<16xf32>
        %parallel_loop3A_395 = arith.index_cast %parallel_loop3A_267 : i32 to index
        %parallel_loop3A_396 = arith.constant 96 : index
        %parallel_loop3A_397 = tpu.vector_load %arg8[%parallel_loop3A_395, %parallel_loop3A_396] {strides = array<i32>} : memref<80x128xf32, #tpu.memory_space<vmem>>, vector<1x16xf32>,
        %parallel_loop3A_398 = vector.shape_cast %parallel_loop3A_397 : vector<1x16xf32> to vector<16xf32>
        %parallel_loop3A_399 = arith.addf %parallel_loop3A_394, %parallel_loop3A_398 : vector<16xf32>
        %parallel_loop3A_400 = arith.constant 80 : i32
        %parallel_loop3A_401 = arith.muli %select_n3A_114, %parallel_loop3A_400 : i32
        %parallel_loop3A_402 = arith.addi %parallel_loop3A_401, %parallel_loop3A_267 : i32
        %parallel_loop3A_403 = arith.index_cast %parallel_loop3A_402 : i32 to index
        %parallel_loop3A_404 = arith.constant 96 : index
        %parallel_loop3A_405 = tpu.vector_load %arg7[%parallel_loop3A_403, %parallel_loop3A_404] {strides = array<i32>} : memref<160x128xf32, #tpu.memory_space<vmem>>, vector<1x16xf32>,
        %parallel_loop3A_406 = vector.shape_cast %parallel_loop3A_405 : vector<1x16xf32> to vector<16xf32>
        %parallel_loop3A_407 = vector.shape_cast %parallel_loop3A_399 : vector<16xf32> to vector<1x16xf32>
        tpu.vector_store %arg7[%parallel_loop3A_403, %parallel_loop3A_404], %parallel_loop3A_407 {strides = array<i32>} : memref<160x128xf32, #tpu.memory_space<vmem>>, vector<1x16xf32>,
        %parallel_loop3A_408 = arith.constant 80 : i32
        %parallel_loop3A_409 = arith.muli %select_n3A_114, %parallel_loop3A_408 : i32
        %parallel_loop3A_410 = arith.addi %parallel_loop3A_409, %parallel_loop3A_267 : i32
        %parallel_loop3A_411 = arith.index_cast %parallel_loop3A_410 : i32 to index
        %parallel_loop3A_412 = arith.constant 112 : index
        %parallel_loop3A_413 = tpu.vector_load %arg7[%parallel_loop3A_411, %parallel_loop3A_412] {strides = array<i32>} : memref<160x128xf32, #tpu.memory_space<vmem>>, vector<1x16xf32>,
        %parallel_loop3A_414 = vector.shape_cast %parallel_loop3A_413 : vector<1x16xf32> to vector<16xf32>
        %parallel_loop3A_415 = arith.index_cast %parallel_loop3A_267 : i32 to index
        %parallel_loop3A_416 = arith.constant 112 : index
        %parallel_loop3A_417 = tpu.vector_load %arg8[%parallel_loop3A_415, %parallel_loop3A_416] {strides = array<i32>} : memref<80x128xf32, #tpu.memory_space<vmem>>, vector<1x16xf32>,
        %parallel_loop3A_418 = vector.shape_cast %parallel_loop3A_417 : vector<1x16xf32> to vector<16xf32>
        %parallel_loop3A_419 = arith.addf %parallel_loop3A_414, %parallel_loop3A_418 : vector<16xf32>
        %parallel_loop3A_420 = arith.constant 80 : i32
        %parallel_loop3A_421 = arith.muli %select_n3A_114, %parallel_loop3A_420 : i32
        %parallel_loop3A_422 = arith.addi %parallel_loop3A_421, %parallel_loop3A_267 : i32
        %parallel_loop3A_423 = arith.index_cast %parallel_loop3A_422 : i32 to index
        %parallel_loop3A_424 = arith.constant 112 : index
        %parallel_loop3A_425 = tpu.vector_load %arg7[%parallel_loop3A_423, %parallel_loop3A_424] {strides = array<i32>} : memref<160x128xf32, #tpu.memory_space<vmem>>, vector<1x16xf32>,
        %parallel_loop3A_426 = vector.shape_cast %parallel_loop3A_425 : vector<1x16xf32> to vector<16xf32>
        %parallel_loop3A_427 = vector.shape_cast %parallel_loop3A_419 : vector<16xf32> to vector<1x16xf32>
        tpu.vector_store %arg7[%parallel_loop3A_423, %parallel_loop3A_424], %parallel_loop3A_427 {strides = array<i32>} : memref<160x128xf32, #tpu.memory_space<vmem>>, vector<1x16xf32>,
      } {sc.loop_unroll_factor = 8 : i64, sc.parallel_access}
      %mul3A_178 = arith.constant 80 : i32
      %mul3A_179 = arith.muli %select_n3A_114, %mul3A_178 : i32
      %get3A = arith.index_cast %mul3A_179 : i32 to index
      %get3A_180 = arith.constant 0 : index
      %get3A_181 = tpu.vector_load %arg7[%get3A, %get3A_180] {strides = array<i32>} : memref<160x128xf32, #tpu.memory_space<vmem>>, vector<1x16xf32>,
      %get3A_182 = vector.shape_cast %get3A_181 : vector<1x16xf32> to vector<16xf32>
      %min3A = arith.constant 0.000000e+00 : f32
      %min3A_183 = vector.broadcast %min3A : f32 to vector<16xf32>
      %min3A_184 = arith.minimumf %get3A_182, %min3A_183 : vector<16xf32>
      %convert_element_type3A_185 = arith.fptosi %min3A_184 : vector<16xf32> to vector<16xi32>
      %broadcast_in_dim3A = arith.constant 0 : i32
      %broadcast_in_dim3A_186 = vector.broadcast %broadcast_in_dim3A : i32 to vector<16xi32>
      %min3A_187 = arith.minsi %convert_element_type3A_185, %broadcast_in_dim3A_186 : vector<16xi32>
      %get3A_188 = arith.constant 1 : i32
      %get3A_189 = arith.index_cast %select_n3A_130 : i32 to index
      %get3A_190 = arith.index_cast %get3A_188 : i32 to index
      %get3A_191 = arith.constant 0 : index
      %get3A_192 = tpu.vector_load %arg6[%get3A_189, %get3A_190, %get3A_191] {strides = array<i32>} : memref<4x2x80xi32, #tpu.memory_space<vmem>>, vector<1x1x16xi32>,
      %get3A_193 = vector.shape_cast %get3A_192 : vector<1x1x16xi32> to vector<16xi32>
      %max3A = arith.maxsi %get3A_193, %min3A_187 : vector<16xi32>
      %swap3A = arith.constant 1 : i32
      %swap3A_194 = arith.index_cast %select_n3A_130 : i32 to index
      %swap3A_195 = arith.index_cast %swap3A : i32 to index
      %swap3A_196 = arith.constant 0 : index
      %swap3A_197 = tpu.vector_load %arg6[%swap3A_194, %swap3A_195, %swap3A_196] {strides = array<i32>} : memref<4x2x80xi32, #tpu.memory_space<vmem>>, vector<1x1x16xi32>,
      %swap3A_198 = vector.shape_cast %swap3A_197 : vector<1x1x16xi32> to vector<16xi32>
      %swap3A_199 = vector.shape_cast %max3A : vector<16xi32> to vector<1x1x16xi32>
      tpu.vector_store %arg6[%swap3A_194, %swap3A_195, %swap3A_196], %swap3A_199 {strides = array<i32>} : memref<4x2x80xi32, #tpu.memory_space<vmem>>, vector<1x1x16xi32>,
      %get3A_200 = arith.constant 1 : i32
      %get3A_201 = arith.index_cast %select_n3A_130 : i32 to index
      %get3A_202 = arith.index_cast %get3A_200 : i32 to index
      %get3A_203 = arith.constant 16 : index
      %get3A_204 = tpu.vector_load %arg6[%get3A_201, %get3A_202, %get3A_203] {strides = array<i32>} : memref<4x2x80xi32, #tpu.memory_space<vmem>>, vector<1x1x16xi32>,
      %get3A_205 = vector.shape_cast %get3A_204 : vector<1x1x16xi32> to vector<16xi32>
      %max3A_206 = arith.maxsi %get3A_205, %min3A_187 : vector<16xi32>
      %swap3A_207 = arith.constant 1 : i32
      %swap3A_208 = arith.index_cast %select_n3A_130 : i32 to index
      %swap3A_209 = arith.index_cast %swap3A_207 : i32 to index
      %swap3A_210 = arith.constant 16 : index
      %swap3A_211 = tpu.vector_load %arg6[%swap3A_208, %swap3A_209, %swap3A_210] {strides = array<i32>} : memref<4x2x80xi32, #tpu.memory_space<vmem>>, vector<1x1x16xi32>,
      %swap3A_212 = vector.shape_cast %swap3A_211 : vector<1x1x16xi32> to vector<16xi32>
      %swap3A_213 = vector.shape_cast %max3A_206 : vector<16xi32> to vector<1x1x16xi32>
      tpu.vector_store %arg6[%swap3A_208, %swap3A_209, %swap3A_210], %swap3A_213 {strides = array<i32>} : memref<4x2x80xi32, #tpu.memory_space<vmem>>, vector<1x1x16xi32>,
      %get3A_214 = arith.constant 1 : i32
      %get3A_215 = arith.index_cast %select_n3A_130 : i32 to index
      %get3A_216 = arith.index_cast %get3A_214 : i32 to index
      %get3A_217 = arith.constant 32 : index
      %get3A_218 = tpu.vector_load %arg6[%get3A_215, %get3A_216, %get3A_217] {strides = array<i32>} : memref<4x2x80xi32, #tpu.memory_space<vmem>>, vector<1x1x16xi32>,
      %get3A_219 = vector.shape_cast %get3A_218 : vector<1x1x16xi32> to vector<16xi32>
      %max3A_220 = arith.maxsi %get3A_219, %min3A_187 : vector<16xi32>
      %swap3A_221 = arith.constant 1 : i32
      %swap3A_222 = arith.index_cast %select_n3A_130 : i32 to index
      %swap3A_223 = arith.index_cast %swap3A_221 : i32 to index
      %swap3A_224 = arith.constant 32 : index
      %swap3A_225 = tpu.vector_load %arg6[%swap3A_222, %swap3A_223, %swap3A_224] {strides = array<i32>} : memref<4x2x80xi32, #tpu.memory_space<vmem>>, vector<1x1x16xi32>,
      %swap3A_226 = vector.shape_cast %swap3A_225 : vector<1x1x16xi32> to vector<16xi32>
      %swap3A_227 = vector.shape_cast %max3A_220 : vector<16xi32> to vector<1x1x16xi32>
      tpu.vector_store %arg6[%swap3A_222, %swap3A_223, %swap3A_224], %swap3A_227 {strides = array<i32>} : memref<4x2x80xi32, #tpu.memory_space<vmem>>, vector<1x1x16xi32>,
      %get3A_228 = arith.constant 1 : i32
      %get3A_229 = arith.index_cast %select_n3A_130 : i32 to index
      %get3A_230 = arith.index_cast %get3A_228 : i32 to index
      %get3A_231 = arith.constant 48 : index
      %get3A_232 = tpu.vector_load %arg6[%get3A_229, %get3A_230, %get3A_231] {strides = array<i32>} : memref<4x2x80xi32, #tpu.memory_space<vmem>>, vector<1x1x16xi32>,
      %get3A_233 = vector.shape_cast %get3A_232 : vector<1x1x16xi32> to vector<16xi32>
      %max3A_234 = arith.maxsi %get3A_233, %min3A_187 : vector<16xi32>
      %swap3A_235 = arith.constant 1 : i32
      %swap3A_236 = arith.index_cast %select_n3A_130 : i32 to index
      %swap3A_237 = arith.index_cast %swap3A_235 : i32 to index
      %swap3A_238 = arith.constant 48 : index
      %swap3A_239 = tpu.vector_load %arg6[%swap3A_236, %swap3A_237, %swap3A_238] {strides = array<i32>} : memref<4x2x80xi32, #tpu.memory_space<vmem>>, vector<1x1x16xi32>,
      %swap3A_240 = vector.shape_cast %swap3A_239 : vector<1x1x16xi32> to vector<16xi32>
      %swap3A_241 = vector.shape_cast %max3A_234 : vector<16xi32> to vector<1x1x16xi32>
      tpu.vector_store %arg6[%swap3A_236, %swap3A_237, %swap3A_238], %swap3A_241 {strides = array<i32>} : memref<4x2x80xi32, #tpu.memory_space<vmem>>, vector<1x1x16xi32>,
      %get3A_242 = arith.constant 1 : i32
      %get3A_243 = arith.index_cast %select_n3A_130 : i32 to index
      %get3A_244 = arith.index_cast %get3A_242 : i32 to index
      %get3A_245 = arith.constant 64 : index
      %get3A_246 = tpu.vector_load %arg6[%get3A_243, %get3A_244, %get3A_245] {strides = array<i32>} : memref<4x2x80xi32, #tpu.memory_space<vmem>>, vector<1x1x16xi32>,
      %get3A_247 = vector.shape_cast %get3A_246 : vector<1x1x16xi32> to vector<16xi32>
      %max3A_248 = arith.maxsi %get3A_247, %min3A_187 : vector<16xi32>
      %swap3A_249 = arith.constant 1 : i32
      %swap3A_250 = arith.index_cast %select_n3A_130 : i32 to index
      %swap3A_251 = arith.index_cast %swap3A_249 : i32 to index
      %swap3A_252 = arith.constant 64 : index
      %swap3A_253 = tpu.vector_load %arg6[%swap3A_250, %swap3A_251, %swap3A_252] {strides = array<i32>} : memref<4x2x80xi32, #tpu.memory_space<vmem>>, vector<1x1x16xi32>,
      %swap3A_254 = vector.shape_cast %swap3A_253 : vector<1x1x16xi32> to vector<16xi32>
      %swap3A_255 = vector.shape_cast %max3A_248 : vector<16xi32> to vector<1x1x16xi32>
      tpu.vector_store %arg6[%swap3A_250, %swap3A_251, %swap3A_252], %swap3A_255 {strides = array<i32>} : memref<4x2x80xi32, #tpu.memory_space<vmem>>, vector<1x1x16xi32>,
      %mul3A_256 = arith.constant 80 : i32
      %mul3A_257 = arith.muli %select_n3A_114, %mul3A_256 : i32
      %dma_start3A_258 = arith.constant 1 : i32
      %dma_start3A_259 = arith.constant 0 : i32
      %dma_start3A_260 = tpu.memref_slice %arg7[%mul3A_257, %dma_start3A_259] : memref<160x128xf32, #tpu.memory_space<vmem>> -> memref<80x128xf32, #tpu.memory_space<vmem>>
      %dma_start3A_261 = arith.constant 0 : i32
      %dma_start3A_262 = tpu.memref_slice %arg6[%select_n3A_130, %dma_start3A_258, %dma_start3A_261] : memref<4x2x80xi32, #tpu.memory_space<vmem>> -> memref<1x1x80xi32, #tpu.memory_space<vmem>>
      %dma_start3A_263 = tpu.memref_squeeze %dma_start3A_262 : memref<1x1x80xi32, #tpu.memory_space<vmem>> -> memref<80xi32, #tpu.memory_space<vmem>>
      %dma_start3A_264 = arith.constant 0 : i32
      %dma_start3A_265 = arith.constant 0 : i32
      %dma_start3A_266 = tpu.memref_slice %arg9[%dma_start3A_264, %dma_start3A_265] : memref<10112x128xf32, #tpu.memory_space<vmem_shared>> -> memref<10112x128xf32, #tpu.memory_space<vmem_shared>>
      tpu.enqueue_indirect_dma source(%dma_start3A_260 : memref<80x128xf32, #tpu.memory_space<vmem>>) target(%dma_start3A_266 : memref<10112x128xf32, #tpu.memory_space<vmem_shared>>) offsets(%dma_start3A_263 : memref<80xi32, #tpu.memory_space<vmem>>) semaphore(%arg12 : memref<!tpu.dma_semaphore, #tpu.memory_space<semaphore_mem>>) {add = true}
    }
    %scan3A_84 = arith.constant 125 : i32
    %dma_wait3A = arith.constant 0 : i32
    %dma_wait3A_85 = arith.constant 0 : i32
    %dma_wait3A_86 = tpu.memref_slice %arg7[%dma_wait3A, %dma_wait3A_85] : memref<160x128xf32, #tpu.memory_space<vmem>> -> memref<80x128xf32, #tpu.memory_space<vmem>>
    %dma_wait3A_87 = arith.constant 0 : i32
    %dma_wait3A_88 = arith.constant 0 : i32
    %dma_wait3A_89 = tpu.memref_slice %arg4[%dma_wait3A_87, %dma_wait3A_88] : memref<320000x128xf32, #tpu.memory_space<hbm>> -> memref<80x128xf32, #tpu.memory_space<hbm>>
    %dma_wait3A_90 = arith.constant 0 : i32
    %dma_wait3A_91 = arith.constant 0 : i32
    %dma_wait3A_92 = tpu.memref_slice %arg7[%dma_wait3A_90, %dma_wait3A_91] : memref<160x128xf32, #tpu.memory_space<vmem>> -> memref<80x128xf32, #tpu.memory_space<vmem>>
    %dma_wait3A_93 = arith.constant 0 : i32
    %dma_wait3A_94 = arith.constant 0 : i32
    %dma_wait3A_95 = tpu.memref_slice %arg4[%dma_wait3A_93, %dma_wait3A_94] : memref<320000x128xf32, #tpu.memory_space<hbm>> -> memref<80x128xf32, #tpu.memory_space<hbm>>
    tpu.wait_dma2 semaphore(%arg12 : memref<!tpu.dma_semaphore, #tpu.memory_space<semaphore_mem>>) src(%dma_wait3A_95 : memref<80x128xf32, #tpu.memory_space<hbm>>) dst(%dma_wait3A_92 : memref<80x128xf32, #tpu.memory_space<vmem>>)
    %barrier3A_96 = arith.constant 0 : index
    tpu.barrier barrier_id(%barrier3A_96)
    %lt3A = arith.constant 15 : i32
    %lt3A_97 = arith.cmpi slt, %arg1, %lt3A : i32
    %convert_element_type3A = arith.extui %lt3A_97 : i1 to i32
    %cond3A = arith.constant 0 : i32
    %cond3A_98 = arith.cmpi ne, %convert_element_type3A, %cond3A : i32
    scf.if %cond3A_98 {
      %mul3A_103 = arith.constant 10000 : i32
      %mul3A_104 = arith.muli %arg0, %mul3A_103 : i32
      %add3A_105 = arith.addi %mul3A_104, %mul3A_7 : i32
      "tpu.region"() ({
        %run_scoped3A_106 = tpu.sem_alloc : memref<!tpu.dma_semaphore, #tpu.memory_space<semaphore_mem>>
        %dma_start3A_107 = arith.constant 0 : i32
        %dma_start3A_108 = tpu.memref_slice %arg5[%add3A_105, %dma_start3A_107] : memref<20000x128xf32, #tpu.memory_space<hbm>> -> memref<632x128xf32, #tpu.memory_space<hbm>>
        %dma_start3A_109 = arith.constant 0 : i32
        %dma_start3A_110 = tpu.memref_slice %arg9[%mul3A_7, %dma_start3A_109] : memref<10112x128xf32, #tpu.memory_space<vmem_shared>> -> memref<632x128xf32, #tpu.memory_space<vmem_shared>>
        tpu.enqueue_dma source(%dma_start3A_110 : memref<632x128xf32, #tpu.memory_space<vmem_shared>>) target(%dma_start3A_108 : memref<632x128xf32, #tpu.memory_space<hbm>>) target_semaphore(%run_scoped3A_106 : memref<!tpu.dma_semaphore, #tpu.memory_space<semaphore_mem>>)
        %dma_wait3A_111 = arith.constant 0 : i32
        %dma_wait3A_112 = tpu.memref_slice %arg5[%add3A_105, %dma_wait3A_111] : memref<20000x128xf32, #tpu.memory_space<hbm>> -> memref<632x128xf32, #tpu.memory_space<hbm>>
        %dma_wait3A_113 = arith.constant 0 : i32
        %dma_wait3A_114 = tpu.memref_slice %arg9[%mul3A_7, %dma_wait3A_113] : memref<10112x128xf32, #tpu.memory_space<vmem_shared>> -> memref<632x128xf32, #tpu.memory_space<vmem_shared>>
        tpu.wait_dma2 semaphore(%run_scoped3A_106 : memref<!tpu.dma_semaphore, #tpu.memory_space<semaphore_mem>>) src(%dma_wait3A_114 : memref<632x128xf32, #tpu.memory_space<vmem_shared>>) dst(%dma_wait3A_112 : memref<632x128xf32, #tpu.memory_space<hbm>>)
        tpu.yield
      }) : () -> ()
    } else {
    }
    %eq3A = arith.constant 15 : i32
    %eq3A_99 = arith.cmpi eq, %arg1, %eq3A : i32
    %convert_element_type3A_100 = arith.extui %eq3A_99 : i1 to i32
    %cond3A_101 = arith.constant 0 : i32
    %cond3A_102 = arith.cmpi ne, %convert_element_type3A_100, %cond3A_101 : i32
    scf.if %cond3A_102 {
      %mul3A_103 = arith.constant 10000 : i32
      %mul3A_104 = arith.muli %arg0, %mul3A_103 : i32
      %add3A_105 = arith.addi %mul3A_104, %mul3A_7 : i32
      "tpu.region"() ({
        %run_scoped3A_106 = tpu.sem_alloc : memref<!tpu.dma_semaphore, #tpu.memory_space<semaphore_mem>>
        %dma_start3A_107 = arith.constant 0 : i32
        %dma_start3A_108 = tpu.memref_slice %arg5[%add3A_105, %dma_start3A_107] : memref<20000x128xf32, #tpu.memory_space<hbm>> -> memref<520x128xf32, #tpu.memory_space<hbm>>
        %dma_start3A_109 = arith.constant 0 : i32
        %dma_start3A_110 = tpu.memref_slice %arg9[%mul3A_7, %dma_start3A_109] : memref<10112x128xf32, #tpu.memory_space<vmem_shared>> -> memref<520x128xf32, #tpu.memory_space<vmem_shared>>
        tpu.enqueue_dma source(%dma_start3A_110 : memref<520x128xf32, #tpu.memory_space<vmem_shared>>) target(%dma_start3A_108 : memref<520x128xf32, #tpu.memory_space<hbm>>) target_semaphore(%run_scoped3A_106 : memref<!tpu.dma_semaphore, #tpu.memory_space<semaphore_mem>>)
        %dma_wait3A_111 = arith.constant 0 : i32
        %dma_wait3A_112 = tpu.memref_slice %arg5[%add3A_105, %dma_wait3A_111] : memref<20000x128xf32, #tpu.memory_space<hbm>> -> memref<520x128xf32, #tpu.memory_space<hbm>>
        %dma_wait3A_113 = arith.constant 0 : i32
        %dma_wait3A_114 = tpu.memref_slice %arg9[%mul3A_7, %dma_wait3A_113] : memref<10112x128xf32, #tpu.memory_space<vmem_shared>> -> memref<520x128xf32, #tpu.memory_space<vmem_shared>>
        tpu.wait_dma2 semaphore(%run_scoped3A_106 : memref<!tpu.dma_semaphore, #tpu.memory_space<semaphore_mem>>) src(%dma_wait3A_114 : memref<520x128xf32, #tpu.memory_space<vmem_shared>>) dst(%dma_wait3A_112 : memref<520x128xf32, #tpu.memory_space<hbm>>)
        tpu.yield
      }) : () -> ()
    } else {
    }
    return
  }
}

module attributes {stable_mosaic.version = 14 : i64} {
  func.func @body(%arg0: i32, %arg1: memref<1000x128xf32, #tpu.memory_space<vmem>>, %arg2: memref<1000x128xf32, #tpu.memory_space<vmem>>, %arg3: memref<1000x128xf32, #tpu.memory_space<vmem>>, %arg4: memref<128x256xf32, #tpu.memory_space<vmem>>, %arg5: memref<1x256xf32, #tpu.memory_space<vmem>>, %arg6: memref<256x128xf32, #tpu.memory_space<vmem>>, %arg7: memref<1x128xf32, #tpu.memory_space<vmem>>, %arg8: memref<1x128xf32, #tpu.memory_space<vmem>>, %arg9: memref<1x128xf32, #tpu.memory_space<vmem>>, %arg10: memref<1x128xf32, #tpu.memory_space<vmem>>, %arg11: memref<1x128xf32, #tpu.memory_space<vmem>>, %arg12: memref<1x128xf32, #tpu.memory_space<vmem>>, %arg13: memref<1000x128xf32, #tpu.memory_space<vmem>>, %arg14: memref<10000x128xf32, #tpu.memory_space<vmem>>, %arg15: memref<8x128xf32, #tpu.memory_space<vmem>>) attributes {dimension_semantics = [#tpu.dimension_semantics<arbitrary>], iteration_bounds = array<i64: 20>, scalar_prefetch = 0 : i64, scratch_operands = 2 : i64, tpu.core_type = #tpu.core_type<tc>, window_params = [{transform_indices = @transform_0, window_bounds = array<i64: 1000, 128>}, {transform_indices = @transform_1, window_bounds = array<i64: 1000, 128>}, {transform_indices = @transform_2, window_bounds = array<i64: 1000, 128>}, {pipeline_mode = #tpu.pipeline_mode<synchronous>, transform_indices = @transform_3, window_bounds = array<i64: 128, 256>}, {pipeline_mode = #tpu.pipeline_mode<synchronous>, transform_indices = @transform_4, window_bounds = array<i64: 1, 256>}, {pipeline_mode = #tpu.pipeline_mode<synchronous>, transform_indices = @transform_5, window_bounds = array<i64: 256, 128>}, {pipeline_mode = #tpu.pipeline_mode<synchronous>, transform_indices = @transform_6, window_bounds = array<i64: 1, 128>}, {pipeline_mode = #tpu.pipeline_mode<synchronous>, transform_indices = @transform_7, window_bounds = array<i64: 1, 128>}, {pipeline_mode = #tpu.pipeline_mode<synchronous>, transform_indices = @transform_8, window_bounds = array<i64: 1, 128>}, {pipeline_mode = #tpu.pipeline_mode<synchronous>, transform_indices = @transform_9, window_bounds = array<i64: 1, 128>}, {pipeline_mode = #tpu.pipeline_mode<synchronous>, transform_indices = @transform_10, window_bounds = array<i64: 1, 128>}, {pipeline_mode = #tpu.pipeline_mode<synchronous>, transform_indices = @transform_11, window_bounds = array<i64: 1, 128>}, {transform_indices = @transform_12, window_bounds = array<i64: 1000, 128>}]} {
    %lt3A = arith.constant 10 : i32
    %lt3A_0 = arith.cmpi slt, %arg0, %lt3A : i32
    %convert_element_type3A = arith.extui %lt3A_0 : i1 to i32
    %cond3A = arith.constant 0 : i32
    %cond3A_1 = arith.cmpi ne, %convert_element_type3A, %cond3A : i32
    scf.if %cond3A_1 {
      %get3A = arith.constant 0 : index
      %get3A_6 = arith.constant 0 : index
      %get3A_7 = vector.load %arg1[%get3A, %get3A_6] : memref<1000x128xf32, #tpu.memory_space<vmem>>, vector<1000x128xf32>
      %get3A_8 = arith.constant 0 : index
      %get3A_9 = arith.constant 0 : index
      %get3A_10 = vector.load %arg2[%get3A_8, %get3A_9] : memref<1000x128xf32, #tpu.memory_space<vmem>>, vector<1000x128xf32>
      %add3A = arith.addf %get3A_7, %get3A_10 : vector<1000x128xf32>
      %get3A_11 = arith.constant 0 : index
      %get3A_12 = arith.constant 0 : index
      %get3A_13 = vector.load %arg4[%get3A_11, %get3A_12] : memref<128x256xf32, #tpu.memory_space<vmem>>, vector<128x256xf32>
      %dot_general3A = arith.constant dense<0.000000e+00> : vector<1000x256xf32>
      %dot_general3A_14 = tpu.matmul %add3A, %get3A_13, %dot_general3A {dimension_numbers = #tpu.dot_dimension_numbers<[1], [0], [0], [1], [0, 0, 1, 1], [], []>, transpose_lhs_hint = false} : vector<1000x128xf32>, vector<128x256xf32>, vector<1000x256xf32> -> vector<1000x256xf32>
      %get3A_15 = arith.constant 0 : index
      %get3A_16 = arith.constant 0 : index
      %get3A_17 = vector.load %arg5[%get3A_15, %get3A_16] : memref<1x256xf32, #tpu.memory_space<vmem>>, vector<1x256xf32>
      %add3A_18 = vector.broadcast %get3A_17 : vector<1x256xf32> to vector<1000x256xf32>
      %add3A_19 = arith.addf %dot_general3A_14, %add3A_18 : vector<1000x256xf32>
      %max3A = arith.constant 0.000000e+00 : f32
      %max3A_20 = vector.broadcast %max3A : f32 to vector<1000x256xf32>
      %max3A_21 = arith.maximumf %add3A_19, %max3A_20 : vector<1000x256xf32>
      %get3A_22 = arith.constant 0 : index
      %get3A_23 = arith.constant 0 : index
      %get3A_24 = vector.load %arg6[%get3A_22, %get3A_23] : memref<256x128xf32, #tpu.memory_space<vmem>>, vector<256x128xf32>
      %dot_general3A_25 = arith.constant dense<0.000000e+00> : vector<1000x128xf32>
      %dot_general3A_26 = tpu.matmul %max3A_21, %get3A_24, %dot_general3A_25 {dimension_numbers = #tpu.dot_dimension_numbers<[1], [0], [0], [1], [0, 0, 1, 1], [], []>, transpose_lhs_hint = false} : vector<1000x256xf32>, vector<256x128xf32>, vector<1000x128xf32> -> vector<1000x128xf32>
      %get3A_27 = arith.constant 0 : index
      %get3A_28 = arith.constant 0 : index
      %get3A_29 = vector.load %arg7[%get3A_27, %get3A_28] : memref<1x128xf32, #tpu.memory_space<vmem>>, vector<1x128xf32>
      %add3A_30 = vector.broadcast %get3A_29 : vector<1x128xf32> to vector<1000x128xf32>
      %add3A_31 = arith.addf %dot_general3A_26, %add3A_30 : vector<1000x128xf32>
      %mul3A = arith.constant 1000 : i32
      %mul3A_32 = arith.muli %arg0, %mul3A : i32
      %swap3A = arith.index_cast %mul3A_32 : i32 to index
      %swap3A_33 = arith.constant 0 : index
      %swap3A_34 = vector.load %arg14[%swap3A, %swap3A_33] : memref<10000x128xf32, #tpu.memory_space<vmem>>, vector<1000x128xf32>
      tpu.vector_store %arg14[%swap3A, %swap3A_33], %add3A_31 {strides = array<i32>} : memref<10000x128xf32, #tpu.memory_space<vmem>>, vector<1000x128xf32>,
      %eq3A = arith.constant 0 : i32
      %eq3A_35 = arith.cmpi eq, %arg0, %eq3A : i32
      %convert_element_type3A_36 = arith.extui %eq3A_35 : i1 to i32
      %cond3A_37 = arith.constant 0 : i32
      %cond3A_38 = arith.cmpi ne, %convert_element_type3A_36, %cond3A_37 : i32
      scf.if %cond3A_38 {
        %broadcast_in_dim3A_58 = arith.constant 0.000000e+00 : f32
        %broadcast_in_dim3A_59 = vector.broadcast %broadcast_in_dim3A_58 : f32 to vector<8x128xf32>
        %swap3A_60 = arith.constant 0 : index
        %swap3A_61 = arith.constant 0 : index
        %swap3A_62 = vector.load %arg15[%swap3A_60, %swap3A_61] : memref<8x128xf32, #tpu.memory_space<vmem>>, vector<8x128xf32>
        tpu.vector_store %arg15[%swap3A_60, %swap3A_61], %broadcast_in_dim3A_59 {strides = array<i32>} : memref<8x128xf32, #tpu.memory_space<vmem>>, vector<8x128xf32>,
      } else {
      }
      %get3A_39 = arith.constant 0 : index
      %get3A_40 = arith.constant 0 : index
      %get3A_41 = vector.load %arg15[%get3A_39, %get3A_40] : memref<8x128xf32, #tpu.memory_space<vmem>>, vector<1x128xf32>
      %reduce_sum3A = arith.constant dense<0.000000e+00> : vector<128xf32>
      %reduce_sum3A_42 = vector.multi_reduction <add>, %add3A_31, %reduce_sum3A [0] : vector<1000x128xf32> to vector<128xf32>
      %broadcast_in_dim3A = vector.shape_cast %reduce_sum3A_42 : vector<128xf32> to vector<1x128xf32>
      %add3A_43 = arith.addf %get3A_41, %broadcast_in_dim3A : vector<1x128xf32>
      %swap3A_44 = arith.constant 0 : index
      %swap3A_45 = arith.constant 0 : index
      %swap3A_46 = vector.load %arg15[%swap3A_44, %swap3A_45] : memref<8x128xf32, #tpu.memory_space<vmem>>, vector<1x128xf32>
      tpu.vector_store %arg15[%swap3A_44, %swap3A_45], %add3A_43 {strides = array<i32>} : memref<8x128xf32, #tpu.memory_space<vmem>>, vector<1x128xf32>,
      %get3A_47 = arith.constant 1 : index
      %get3A_48 = arith.constant 0 : index
      %get3A_49 = vector.load %arg15[%get3A_47, %get3A_48] : memref<8x128xf32, #tpu.memory_space<vmem>>, vector<1x128xf32>
      %mul3A_50 = arith.mulf %add3A_31, %add3A_31 : vector<1000x128xf32>
      %reduce_sum3A_51 = arith.constant dense<0.000000e+00> : vector<128xf32>
      %reduce_sum3A_52 = vector.multi_reduction <add>, %mul3A_50, %reduce_sum3A_51 [0] : vector<1000x128xf32> to vector<128xf32>
      %broadcast_in_dim3A_53 = vector.shape_cast %reduce_sum3A_52 : vector<128xf32> to vector<1x128xf32>
      %add3A_54 = arith.addf %get3A_49, %broadcast_in_dim3A_53 : vector<1x128xf32>
      %swap3A_55 = arith.constant 1 : index
      %swap3A_56 = arith.constant 0 : index
      %swap3A_57 = vector.load %arg15[%swap3A_55, %swap3A_56] : memref<8x128xf32, #tpu.memory_space<vmem>>, vector<1x128xf32>
      tpu.vector_store %arg15[%swap3A_55, %swap3A_56], %add3A_54 {strides = array<i32>} : memref<8x128xf32, #tpu.memory_space<vmem>>, vector<1x128xf32>,
    } else {
    }
    %ge3A = arith.constant 10 : i32
    %ge3A_2 = arith.cmpi sge, %arg0, %ge3A : i32
    %convert_element_type3A_3 = arith.extui %ge3A_2 : i1 to i32
    %cond3A_4 = arith.constant 0 : i32
    %cond3A_5 = arith.cmpi ne, %convert_element_type3A_3, %cond3A_4 : i32
    scf.if %cond3A_5 {
      %get3A = arith.constant 0 : index
      %get3A_6 = arith.constant 0 : index
      %get3A_7 = vector.load %arg15[%get3A, %get3A_6] : memref<8x128xf32, #tpu.memory_space<vmem>>, vector<1x128xf32>
      %get3A_8 = arith.constant 1 : index
      %get3A_9 = arith.constant 0 : index
      %get3A_10 = vector.load %arg15[%get3A_8, %get3A_9] : memref<8x128xf32, #tpu.memory_space<vmem>>, vector<1x128xf32>
      %reduce_sum3A = vector.shape_cast %get3A_7 : vector<1x128xf32> to vector<1x1x128xf32>
      %reduce_sum3A_11 = arith.constant dense<0.000000e+00> : vector<1xf32>
      %reduce_sum3A_12 = vector.multi_reduction <add>, %reduce_sum3A, %reduce_sum3A_11 [1, 2] : vector<1x1x128xf32> to vector<1xf32>
      %reduce_sum3A_13 = vector.shape_cast %reduce_sum3A_12 : vector<1xf32> to vector<1x1x1xf32>
      %reduce_sum3A_14 = vector.extract %reduce_sum3A_13[0, 0, 0] : f32 from vector<1x1x1xf32>
      %mul3A = arith.constant 7.812500e-07 : f32
      %mul3A_15 = arith.mulf %reduce_sum3A_14, %mul3A : f32
      %reduce_sum3A_16 = vector.shape_cast %get3A_10 : vector<1x128xf32> to vector<1x1x128xf32>
      %reduce_sum3A_17 = arith.constant dense<0.000000e+00> : vector<1xf32>
      %reduce_sum3A_18 = vector.multi_reduction <add>, %reduce_sum3A_16, %reduce_sum3A_17 [1, 2] : vector<1x1x128xf32> to vector<1xf32>
      %reduce_sum3A_19 = vector.shape_cast %reduce_sum3A_18 : vector<1xf32> to vector<1x1x1xf32>
      %reduce_sum3A_20 = vector.extract %reduce_sum3A_19[0, 0, 0] : f32 from vector<1x1x1xf32>
      %mul3A_21 = arith.constant 7.812500e-07 : f32
      %mul3A_22 = arith.mulf %reduce_sum3A_20, %mul3A_21 : f32
      %mul3A_23 = arith.mulf %mul3A_15, %mul3A_15 : f32
      %sub3A = arith.subf %mul3A_22, %mul3A_23 : f32
      %get3A_24 = arith.constant 0 : index
      %get3A_25 = arith.constant 0 : index
      %get3A_26 = vector.load %arg8[%get3A_24, %get3A_25] : memref<1x128xf32, #tpu.memory_space<vmem>>, vector<1x128xf32>
      %add3A = arith.constant 9.99999974E-6 : f32
      %add3A_27 = arith.addf %sub3A, %add3A : f32
      %rsqrt3A = math.rsqrt %add3A_27 : f32
      %mul3A_28 = vector.broadcast %rsqrt3A : f32 to vector<1x128xf32>
      %mul3A_29 = arith.mulf %get3A_26, %mul3A_28 : vector<1x128xf32>
      %get3A_30 = arith.constant 0 : index
      %get3A_31 = arith.constant 0 : index
      %get3A_32 = vector.load %arg9[%get3A_30, %get3A_31] : memref<1x128xf32, #tpu.memory_space<vmem>>, vector<1x128xf32>
      %mul3A_33 = vector.broadcast %mul3A_15 : f32 to vector<1x128xf32>
      %mul3A_34 = arith.mulf %mul3A_33, %mul3A_29 : vector<1x128xf32>
      %sub3A_35 = arith.subf %get3A_32, %mul3A_34 : vector<1x128xf32>
      %mul3A_36 = arith.constant 9.99999974E-5 : f32
      %mul3A_37 = vector.broadcast %mul3A_36 : f32 to vector<1x128xf32>
      %mul3A_38 = arith.mulf %get3A_7, %mul3A_37 : vector<1x128xf32>
      %mul3A_39 = arith.mulf %mul3A_29, %mul3A_38 : vector<1x128xf32>
      %add3A_40 = arith.addf %mul3A_39, %sub3A_35 : vector<1x128xf32>
      %get3A_41 = arith.constant 0 : index
      %get3A_42 = arith.constant 0 : index
      %get3A_43 = vector.load %arg12[%get3A_41, %get3A_42] : memref<1x128xf32, #tpu.memory_space<vmem>>, vector<1x128xf32>
      %mul3A_44 = arith.mulf %add3A_40, %get3A_43 : vector<1x128xf32>
      %sub3A_45 = arith.subf %sub3A_35, %mul3A_44 : vector<1x128xf32>
      %mul3A_46 = arith.mulf %mul3A_29, %mul3A_29 : vector<1x128xf32>
      %mul3A_47 = arith.constant 9.99999974E-5 : f32
      %mul3A_48 = vector.broadcast %mul3A_47 : f32 to vector<1x128xf32>
      %mul3A_49 = arith.mulf %get3A_10, %mul3A_48 : vector<1x128xf32>
      %mul3A_50 = arith.mulf %mul3A_46, %mul3A_49 : vector<1x128xf32>
      %mul3A_51 = arith.constant 2.000000e+00 : f32
      %mul3A_52 = vector.broadcast %mul3A_51 : f32 to vector<1x128xf32>
      %mul3A_53 = arith.mulf %mul3A_52, %mul3A_29 : vector<1x128xf32>
      %mul3A_54 = arith.mulf %mul3A_53, %sub3A_45 : vector<1x128xf32>
      %mul3A_55 = arith.constant 9.99999974E-5 : f32
      %mul3A_56 = vector.broadcast %mul3A_55 : f32 to vector<1x128xf32>
      %mul3A_57 = arith.mulf %get3A_7, %mul3A_56 : vector<1x128xf32>
      %mul3A_58 = arith.mulf %mul3A_54, %mul3A_57 : vector<1x128xf32>
      %add3A_59 = arith.addf %mul3A_50, %mul3A_58 : vector<1x128xf32>
      %mul3A_60 = arith.mulf %sub3A_45, %sub3A_45 : vector<1x128xf32>
      %add3A_61 = arith.addf %add3A_59, %mul3A_60 : vector<1x128xf32>
      %get3A_62 = arith.constant 0 : index
      %get3A_63 = arith.constant 0 : index
      %get3A_64 = vector.load %arg10[%get3A_62, %get3A_63] : memref<1x128xf32, #tpu.memory_space<vmem>>, vector<1x128xf32>
      %add3A_65 = arith.constant 9.99999974E-6 : f32
      %add3A_66 = vector.broadcast %add3A_65 : f32 to vector<1x128xf32>
      %add3A_67 = arith.addf %add3A_61, %add3A_66 : vector<1x128xf32>
      %rsqrt3A_68 = math.rsqrt %add3A_67 : vector<1x128xf32>
      %mul3A_69 = arith.mulf %get3A_64, %rsqrt3A_68 : vector<1x128xf32>
      %mul3A_70 = arith.mulf %mul3A_29, %mul3A_69 : vector<1x128xf32>
      %mul3A_71 = arith.mulf %sub3A_45, %mul3A_69 : vector<1x128xf32>
      %get3A_72 = arith.constant 0 : index
      %get3A_73 = arith.constant 0 : index
      %get3A_74 = vector.load %arg11[%get3A_72, %get3A_73] : memref<1x128xf32, #tpu.memory_space<vmem>>, vector<1x128xf32>
      %add3A_75 = arith.addf %mul3A_71, %get3A_74 : vector<1x128xf32>
      %sub3A_76 = arith.constant 10 : i32
      %sub3A_77 = arith.subi %arg0, %sub3A_76 : i32
      %mul3A_78 = arith.constant 1000 : i32
      %mul3A_79 = arith.muli %sub3A_77, %mul3A_78 : i32
      %get3A_80 = arith.index_cast %mul3A_79 : i32 to index
      %get3A_81 = arith.constant 0 : index
      %get3A_82 = vector.load %arg14[%get3A_80, %get3A_81] : memref<10000x128xf32, #tpu.memory_space<vmem>>, vector<1000x128xf32>
      %mul3A_83 = vector.broadcast %mul3A_70 : vector<1x128xf32> to vector<1000x128xf32>
      %mul3A_84 = arith.mulf %get3A_82, %mul3A_83 : vector<1000x128xf32>
      %add3A_85 = vector.broadcast %add3A_75 : vector<1x128xf32> to vector<1000x128xf32>
      %add3A_86 = arith.addf %mul3A_84, %add3A_85 : vector<1000x128xf32>
      %integer_pow3A = arith.mulf %add3A_86, %add3A_86 : vector<1000x128xf32>
      %integer_pow3A_87 = arith.mulf %add3A_86, %integer_pow3A : vector<1000x128xf32>
      %mul3A_88 = arith.constant 4.471500e-02 : f32
      %mul3A_89 = vector.broadcast %mul3A_88 : f32 to vector<1000x128xf32>
      %mul3A_90 = arith.mulf %mul3A_89, %integer_pow3A_87 : vector<1000x128xf32>
      %add3A_91 = arith.addf %add3A_86, %mul3A_90 : vector<1000x128xf32>
      %mul3A_92 = arith.constant 0.797884583 : f32
      %mul3A_93 = vector.broadcast %mul3A_92 : f32 to vector<1000x128xf32>
      %mul3A_94 = arith.mulf %mul3A_93, %add3A_91 : vector<1000x128xf32>
      %tanh3A = math.tanh %mul3A_94 : vector<1000x128xf32>
      %add3A_95 = arith.constant 1.000000e+00 : f32
      %add3A_96 = vector.broadcast %add3A_95 : f32 to vector<1000x128xf32>
      %add3A_97 = arith.addf %add3A_96, %tanh3A : vector<1000x128xf32>
      %mul3A_98 = arith.constant 5.000000e-01 : f32
      %mul3A_99 = vector.broadcast %mul3A_98 : f32 to vector<1000x128xf32>
      %mul3A_100 = arith.mulf %mul3A_99, %add3A_97 : vector<1000x128xf32>
      %mul3A_101 = arith.mulf %add3A_86, %mul3A_100 : vector<1000x128xf32>
      %get3A_102 = arith.constant 0 : index
      %get3A_103 = arith.constant 0 : index
      %get3A_104 = vector.load %arg3[%get3A_102, %get3A_103] : memref<1000x128xf32, #tpu.memory_space<vmem>>, vector<1000x128xf32>
      %add3A_105 = arith.addf %mul3A_101, %get3A_104 : vector<1000x128xf32>
      %swap3A = arith.constant 0 : index
      %swap3A_106 = arith.constant 0 : index
      %swap3A_107 = vector.load %arg13[%swap3A, %swap3A_106] : memref<1000x128xf32, #tpu.memory_space<vmem>>, vector<1000x128xf32>
      tpu.vector_store %arg13[%swap3A, %swap3A_106], %add3A_105 {strides = array<i32>} : memref<1000x128xf32, #tpu.memory_space<vmem>>, vector<1000x128xf32>,
    } else {
    }
    return
  }
  func.func @transform_0(%arg0: i32) -> (i32, i32) {
    %min3A = arith.constant 9 : i32
    %min3A_0 = arith.minsi %arg0, %min3A : i32
    %c0_i32 = arith.constant 0 : i32
    %c0_i32_1 = arith.constant 0 : i32
    return %min3A_0, %c0_i32 : i32, i32
  }
  func.func @transform_1(%arg0: i32) -> (i32, i32) {
    %min3A = arith.constant 9 : i32
    %min3A_0 = arith.minsi %arg0, %min3A : i32
    %add3A = arith.constant 10 : i32
    %add3A_1 = arith.addi %min3A_0, %add3A : i32
    %c0_i32 = arith.constant 0 : i32
    %c0_i32_2 = arith.constant 0 : i32
    return %add3A_1, %c0_i32 : i32, i32
  }
  func.func @transform_2(%arg0: i32) -> (i32, i32) {
    %sub3A = arith.constant 10 : i32
    %sub3A_0 = arith.subi %arg0, %sub3A : i32
    %max3A = arith.constant 0 : i32
    %max3A_1 = arith.maxsi %sub3A_0, %max3A : i32
    %c0_i32 = arith.constant 0 : i32
    %c0_i32_2 = arith.constant 0 : i32
    return %max3A_1, %c0_i32 : i32, i32
  }
  func.func @transform_3(%arg0: i32) -> (i32, i32) {
    %c0_i32 = arith.constant 0 : i32
    %c0_i32_0 = arith.constant 0 : i32
    %c0_i32_1 = arith.constant 0 : i32
    return %c0_i32, %c0_i32_0 : i32, i32
  }
  func.func @transform_4(%arg0: i32) -> (i32, i32) {
    %c0_i32 = arith.constant 0 : i32
    %c0_i32_0 = arith.constant 0 : i32
    %c0_i32_1 = arith.constant 0 : i32
    return %c0_i32, %c0_i32_0 : i32, i32
  }
  func.func @transform_5(%arg0: i32) -> (i32, i32) {
    %c0_i32 = arith.constant 0 : i32
    %c0_i32_0 = arith.constant 0 : i32
    %c0_i32_1 = arith.constant 0 : i32
    return %c0_i32, %c0_i32_0 : i32, i32
  }
  func.func @transform_6(%arg0: i32) -> (i32, i32) {
    %c0_i32 = arith.constant 0 : i32
    %c0_i32_0 = arith.constant 0 : i32
    %c0_i32_1 = arith.constant 0 : i32
    return %c0_i32, %c0_i32_0 : i32, i32
  }
  func.func @transform_7(%arg0: i32) -> (i32, i32) {
    %c0_i32 = arith.constant 0 : i32
    %c0_i32_0 = arith.constant 0 : i32
    %c0_i32_1 = arith.constant 0 : i32
    return %c0_i32, %c0_i32_0 : i32, i32
  }
  func.func @transform_8(%arg0: i32) -> (i32, i32) {
    %c0_i32 = arith.constant 0 : i32
    %c0_i32_0 = arith.constant 0 : i32
    %c0_i32_1 = arith.constant 0 : i32
    return %c0_i32, %c0_i32_0 : i32, i32
  }
  func.func @transform_9(%arg0: i32) -> (i32, i32) {
    %c0_i32 = arith.constant 0 : i32
    %c0_i32_0 = arith.constant 0 : i32
    %c0_i32_1 = arith.constant 0 : i32
    return %c0_i32, %c0_i32_0 : i32, i32
  }
  func.func @transform_10(%arg0: i32) -> (i32, i32) {
    %c0_i32 = arith.constant 0 : i32
    %c0_i32_0 = arith.constant 0 : i32
    %c0_i32_1 = arith.constant 0 : i32
    return %c0_i32, %c0_i32_0 : i32, i32
  }
  func.func @transform_11(%arg0: i32) -> (i32, i32) {
    %c0_i32 = arith.constant 0 : i32
    %c0_i32_0 = arith.constant 0 : i32
    %c0_i32_1 = arith.constant 0 : i32
    return %c0_i32, %c0_i32_0 : i32, i32
  }
  func.func @transform_12(%arg0: i32) -> (i32, i32) {
    %sub3A = arith.constant 10 : i32
    %sub3A_0 = arith.subi %arg0, %sub3A : i32
    %max3A = arith.constant 0 : i32
    %max3A_1 = arith.maxsi %sub3A_0, %max3A : i32
    %c0_i32 = arith.constant 0 : i32
    %c0_i32_2 = arith.constant 0 : i32
    return %max3A_1, %c0_i32 : i32, i32
  }
}

</mosaic_0001>

<sc_bundles>
// kernel: kernel.4.cloned.1.call-start
scs
__scs_entry_jumppad:
0x0: {  	(pc) =	sbr.rel $0x88, $3  }
0x1: {  	(tag) =	ssettag $0x0;
	lr =	simm.s32 $0x1  }
0x2: {  	[smem:$0x3F95] =	sst lr;
	_ =	strace $0xD0000000  }
0x3: {  	_ = 	snop  }
0x4: {  	_ = 	snop  }
0x5: {  	_ = 	snop  }
0x6: {  	_ = 	snop  }
0x7: {  	_ = 	snop  }
__scs_overlays_trampoline_lowered:
0x8: {  	[smem:$0x3FA4] =	sst s0  }
0x9: {  	[smem:$0x3FA5] =	sst s1  }
0xa: {  	[smem:$0x3FA6] =	sst s2  }
0xb: {  	[smem:$0x3FA7] =	sst s3  }
0xc: {  	[smem:$0x3FA8] =	sst s4  }
0xd: {  	[smem:$0x3FA9] =	sst s5  }
0xe: {  	[smem:$0x3FAA] =	sst s6  }
0xf: {  	[smem:$0x3FAB] =	sst s7  }
0x10: {  	[smem:$0x3FAC] =	sst s8  }
0x11: {  	[smem:$0x3FAD] =	sst s9;
	s0 =	simm.s32 @!p0 $0x0  }
0x12: {  	s1 =	sld [smem:$0x3F93];
	s0 =	simm.s32 @p0 $0x1  }
0x13: {  	[smem:$0x3FAE] =	sst s0;
	s0 =	simm.s32 @!p1 $0x0  }
0x14: {  	s2 =	sld [smem:$0x3F92];
	s0 =	simm.s32 @p1 $0x1  }
0x15: {  	[smem:$0x3FAF] =	sst s0;
	s0 =	simm.s32 @!p2 $0x0  }
0x16: {  	s3 =	sld [smem:$0x3FDB];
	s0 =	simm.s32 @p2 $0x1  }
0x17: {  	s4 =	simm.s32 $0x1BF5;
	[smem:$0x3FB1] =	sst s0  }
0x18: {  	s0 =	sld [smem:$0x3F94];
	_ =	swait.ge [sflag:s4], $0x0  }
0x19: {  	s7 =	sld [smem:$0x3F95]  }
0x1a: {  	s8 =	sadd.s32 $0xFFFFE003, lr  }
0x1b: {  	s9 =	sadd.s32 $0xFFFFFEF7, lr;
	s5 =	simm.s32 $0xFFFFFFFF;
	p2 =	slt.u32 s8, $0xFFFFF086  }
0x1c: {  	p1 =	slt.u32 s9, $0xF7A;
	s5 =	simm.s32 @!p2 $0x0  }
0x1d: {  	s5 =	simm.s32 @p1 $0x1;
	p0 =	seq.s32 s7, s2  }
0x1e: {  	s7 =	smul.u32 @!p0 $0xF7A, s2;
	p2 =	seq.s32 @!p0 s5, $0x0  }
0x1f: {  	s9 =	smul.u32 $0xF7A, s1;
	s8 =	simm.s32 @!p0 $0x1BF5;
	p2 =	por !p2, p0  }
0x20: {  	[sflag:s8] =	ssyncset.s32 @!p0 $0xFFFFF086;
	s6 =	sadd.s32 @!p0 s3, s7;
	s7 =	simm.s32 @!p0 $0x108  }
0x21: {  	s3 =	sadd.s32 s3, s9;
	s6 =	sadd.s32 @!p0 $0x88, s6;
	s7 =	simm.s32 @p2 $0x1082  }
0x22: {  	[simem:s7], [sflag:s8] =	dma.local @!p0 [hbm:s6], $0xF7A  }
0x23: {  	s9 =	sor.u32 $0xD0000000, s2;
	s6 =	simm.s32 $0x108;
	_ =	swait.ge @!p0 [sflag:s8], $0x0  }
0x24: {  	s3 =	sadd.s32 $0x88, s3;
	s6 =	simm.s32 @!p1 $0x1082;
	[sflag:s4] =	ssyncset.s32 $0xFFFFF086  }
0x25: {  	[simem:s6], [sflag:s4] =	dma.local [hbm:s3], $0xF7A  }
0x26: {  	[smem:$0x3F95] =	sst s1;
	(tag) =	ssettag s2;
	_ =	strace s9  }
0x27: {  	s1 =	sld [smem:$0x3FA5]  }
0x28: {  	s2 =	sld [smem:$0x3FA6]  }
0x29: {  	s4 =	sld [smem:$0x3FA8]  }
0x2a: {  	p0 =	seq.s32 s5, $0x0;
	s5 =	sld [smem:$0x3FA9]  }
0x2b: {  	s6 =	sld [smem:$0x3FAA]  }
0x2c: {  	s7 =	sld [smem:$0x3FAB]  }
0x2d: {  	s3 =	simm.s32 $0x108;
	s8 =	sld [smem:$0x3FAC]  }
0x2e: {  	s3 =	simm.s32 @!p0 $0x1082;
	s9 =	sld [smem:$0x3FAD]  }
0x2f: {  	lr =	sadd.s32 s0, s3;
	s0 =	sld [smem:$0x3FA4]  }
0x30: {  	s3 =	sld [smem:$0x3FA7]  }
0x31: {  	[smem:$0x3FB0] =	sst s10  }
0x32: {  	s10 =	sld [smem:$0x3FAE];
	_ =	sdelay $0x3  }
0x33: {  	p0 =	seq.s32 s10, $0x1;
	s10 =	sld [smem:$0x3FB0];
	_ =	sdelay $0x3  }
0x34: {  	[smem:$0x3FB0] =	sst s10  }
0x35: {  	s10 =	sld [smem:$0x3FAF];
	_ =	sdelay $0x3  }
0x36: {  	p1 =	seq.s32 s10, $0x1;
	s10 =	sld [smem:$0x3FB0];
	_ =	sdelay $0x3  }
0x37: {  	[smem:$0x3FB0] =	sst s10  }
0x38: {  	s10 =	sld [smem:$0x3FB1]  }
0x39: {  	_ = 	snop;
	(pc) =	sbr.ind lr, $3  }
0x3a: {  	_ = 	snop  }
0x3b: {  	_ = 	snop  }
0x3c: {  	p2 =	seq.s32 s10, $0x1;
	s10 =	sld [smem:$0x3FB0]  }
0x3d: {  	_ =	shalt  }
0x3e: {  	_ =	shalt  }
0x3f: {  	_ =	shalt  }
0x40: {  	_ =	shalt  }
0x41: {  	_ =	shalt  }
0x42: {  	_ =	shalt  }
0x43: {  	_ =	shalt  }
0x44: {  	_ =	shalt  }
0x45: {  	_ =	shalt  }
0x46: {  	_ =	shalt  }
0x47: {  	_ =	shalt  }
0x48: {  	_ =	shalt  }
0x49: {  	_ =	shalt  }
0x4a: {  	_ =	shalt  }
0x4b: {  	_ =	shalt  }
0x4c: {  	_ =	shalt  }
0x4d: {  	_ =	shalt  }
0x4e: {  	_ =	shalt  }
0x4f: {  	_ =	shalt  }
0x50: {  	_ =	shalt  }
0x51: {  	_ =	shalt  }
0x52: {  	_ =	shalt  }
0x53: {  	_ =	shalt  }
0x54: {  	_ =	shalt  }
0x55: {  	_ =	shalt  }
0x56: {  	_ =	shalt  }
0x57: {  	_ =	shalt  }
0x58: {  	_ =	shalt  }
0x59: {  	_ =	shalt  }
0x5a: {  	_ =	shalt  }
0x5b: {  	_ =	shalt  }
0x5c: {  	_ =	shalt  }
0x5d: {  	_ =	shalt  }
0x5e: {  	_ =	shalt  }
0x5f: {  	_ =	shalt  }
0x60: {  	_ =	shalt  }
0x61: {  	_ =	shalt  }
0x62: {  	_ =	shalt  }
0x63: {  	_ =	shalt  }
0x64: {  	_ =	shalt  }
0x65: {  	_ =	shalt  }
0x66: {  	_ =	shalt  }
0x67: {  	_ =	shalt  }
0x68: {  	_ =	shalt  }
0x69: {  	_ =	shalt  }
0x6a: {  	_ =	shalt  }
0x6b: {  	_ =	shalt  }
0x6c: {  	_ =	shalt  }
0x6d: {  	_ =	shalt  }
0x6e: {  	_ =	shalt  }
0x6f: {  	_ =	shalt  }
0x70: {  	_ =	shalt  }
0x71: {  	_ =	shalt  }
0x72: {  	_ =	shalt  }
0x73: {  	_ =	shalt  }
0x74: {  	_ =	shalt  }
0x75: {  	_ =	shalt  }
0x76: {  	_ =	shalt  }
0x77: {  	_ =	shalt  }
0x78: {  	_ =	shalt  }
0x79: {  	_ =	shalt  }
0x7a: {  	_ =	shalt  }
0x7b: {  	_ =	shalt  }
0x7c: {  	_ =	shalt  }
0x7d: {  	_ =	shalt  }
0x7e: {  	_ =	shalt  }
0x7f: {  	_ =	shalt  }
0x80: {  	_ =	shalt  }
0x81: {  	_ =	shalt  }
0x82: {  	_ =	shalt  }
0x83: {  	_ =	shalt  }
0x84: {  	_ =	shalt  }
0x85: {  	_ =	shalt  }
0x86: {  	_ =	shalt  }
0x87: {  	_ =	shalt  }
.Lfunc_end0:
.L_simem_size_0:
called_computation_lowered:
.L_overlay_start_0:
0x88: {  	s2 =	sld [smem:$0x3FD9]  }
0x89: {  	s3 =	sld [smem:$0x3FFE];
	_ =	sdelay $0x1  }
0x8a: {  	s1 =	srdreg.scid  }
0x8b: {  	s0 =	sand.u32 $0x1, s1  }
0x8c: {  	s17 =	sshll.u32 s0, $0xA;
	s2 =	sadd.s32 s3, s2  }
0x8d: {  	s2 =	sadd.s32 s2, s17  }
0x8e: {  	[smem:$0x3FBC] =	sst s2  }
0x8f: {  	_ = 	snop  }
0x90: {  	s2 =	sld [smem:$0x3FC9]  }
0x91: {  	s18 =	sld [smem:$0x3FC7]  }
0x92: {  	s4 =	sld [smem:$0x3FD0];
	(tm) =	ssettm $0x1  }
0x93: {  	s5 =	sld [smem:$0x3FFB];
	_ =	sdelay $0x3  }
0x94: {  	_ =	strace s5  }
0x95: {  	s5 =	sld [smem:$0x3FFC];
	_ =	sdelay $0x3  }
0x96: {  	_ =	strace s5  }
0x97: {  	s5 =	sld [smem:$0x3FFD];
	_ =	sdelay $0x3  }
0x98: {  	_ =	strace s5  }
0x99: {  	_ =	strace $0x8FFFFFFF  }
0x9a: {  	s19 =	sld [smem:$0x3FDB];
	_ =	sdelay $0x1  }
0x9b: {  	s6 =	simm.s32 $_scs_section_size  }
0x9c: {  	s7 =	simm.s32 $_size__tile_overlayer_lowered;
	s8 =	simm.s32 $_tile_overlayer_lowered  }
0x9d: {  	s22 =	simm.s32 $0x1BFF;
	s21 =	sshll.u32 s8, $0x1;
	s5 =	sadd.s32 s6, s19  }
0x9e: {  	s9 =	simm.s32 $0x0;
	s20 =	sshll.u32 s7, $0x1;
	s7 =	sadd.s32 s21, s5  }
0x9f: {  	[timem:s9], [sflag:s22] =	dma.local [hbm:s7], s20  }
0xa0: {  	_ =	swait.ge [sflag:s22], s20  }
0xa1: {  	s6 =	ssub.s32 $0x0, s20;
	[sflag:s22] =	ssyncset.done $0x0  }
0xa2: {  	[sflag:s22] =	ssyncadd.s32 s6;
	_ =	sdelay $0x1  }
0xa3: {  	s23 =	simm.s32 $0x1B8B  }
0xa4: {  	_ =	swait.ge [sflag:s23], $0x1  }
0xa5: {  	[sflag:s23] =	ssyncset.done $0x0  }
0xa6: {  	s25 =	simm.s32 $0x1B8E;
	s24 =	sld [smem:$0x3FFE];
	[sflag:s23] =	ssyncadd.s32 $0xFFFFFFFF  }
0xa7: {  	s26 =	simm.s32 $execute0_lowered;
	[smem:$0x3FD2] =	sst s25  }
0xa8: {  	s7 =	sshll.u32 s26, $0x1;
	_ =	strace $0x80000046;
	[dreg:$0x1] =	wrdreg $0xFFFFFFFF  }
0xa9: {  	s28 =	simm.s32 $_size_execute0_lowered;
	s5 =	sadd.s32 s5, s7;
	[dreg:$0x0] =	wrdreg $0x0  }
0xaa: {  	s7 =	sshll.u32 s28, $0x1;
	[dreg:$0x2] =	wrdreg s5  }
0xab: {  	[dreg:$0x3] =	wrdreg s7  }
0xac: {  	[dreg:$0x4] =	wrdreg $0xC0  }
0xad: {  	_ =	task [dreg:s9], $0x5FFFF  }
0xae: {  	[dreg:$0x1] =	wrdreg $0xFFFFFFFF  }
0xaf: {  	[dreg:$0x0] =	wrdreg $0x60  }
0xb0: {  	[dreg:$0x2] =	wrdreg s2  }
0xb1: {  	[dreg:$0x3] =	wrdreg s4  }
0xb2: {  	[dreg:$0x4] =	wrdreg s18  }
0xb3: {  	[dreg:$0x5] =	wrdreg s24  }
0xb4: {  	[dreg:$0x6] =	wrdreg $0x7C000  }
0xb5: {  	[dreg:$0x7] =	wrdreg $0x9  }
0xb6: {  	_ =	task.clear_ibuf [dreg:s9], $0x8FFFF;
	_ =	strace $0x90000046  }
0xb7: {  	s29 =	simm.s32 $0x9;
	_ =	strace $0x80000048  }
0xb8: {  	_ =	swait.ge [sflag:s29], $0x1  }
0xb9: {  	[sflag:s29] =	ssyncadd.s32 $0xFFFFFFFF  }
0xba: {  	_ =	strace $0x90000048  }
0xbb: {  	_ =	sfence  }
0xbc: {  	s30 =	sld [smem:$0x0];
	_ =	sdelay $0x2  }
0xbd: {  	s31 =	sshll.u32 s1, $0xD;
	s1 =	sshrl.u32 s1, $0x2  }
0xbe: {  	s3 =	sand.u32 $0x4000, s31;
	s1 =	sadd.s32 s1, s30  }
0xbf: {  	s0 =	sor.u32 s3, s0;
	s1 =	sshll.u32 s1, $0x11  }
0xc0: {  	s0 =	sor.u32 s1, s0  }
0xc1: {  	s0 =	sadd.s32 $0x8F2B, s0  }
0xc2: {  	[sflag:s0] =	ssyncadd.remote.s32 $0x1  }
0xc3: {  	_ =	sfence.sel $0xFFFF  }
0xc4: {  	[dreg:$0x0] =	wrdreg $0xFFFFFFFF;
	(pc) =	sbr.abs _section_cstart, $3  }
0xc5: {  	[dreg:$0x1] =	wrdreg $0xFFFFFFFF  }
0xc6: {  	_ =	task.clear_ibuf [dreg:s9], $0x2FFFF;
	_ =	strace $0x9FFFFFFF  }
0xc7: {  	(tm) =	ssettm $0x7FFFFFFF  }
tec
execute0_lowered:
.L_overlay_start_1:
0x0: {  	(tag) =	ssettag $0x1  }
0x1: {  	s1 =	rddreg [dreg:$0x0]  }
0x2: {  	s2 =	rddreg [dreg:$0x1]  }
0x3: {  	s3 =	rddreg [dreg:$0x2]  }
0x4: {  	s0 =	rddreg [dreg:$0x3]  }
0x5: {  	s5 =	rddreg [dreg:$0x4];
	s4 =	srdreg.scid;
	s6 =	simm.s32 $0x0  }
0x6: {  	s26 =	stileid.u32;
	s31 =	simm.s32 $0x1;
	s28 =	simm.s32 $0x3  }
0x7: {  	s4 =	sand.u32 $0x1, s4;
	[smem:$0x7FF] =	sst s6;
	s8 =	smul.u32 $0x4F000, s26  }
0x8: {  	s0 =	sadd.s32 $0x1A00, s0;
	s12 =	smul.u32 $0x2780, s26;
	p0 =	seq.s32 s26, $0xF  }
0x9: {  	s7 =	ssub.s32 $0x2, s4;
	s22 =	sshll.u32 s4, $0x4;
	s20 =	smul.u32 $0x27100, s4  }
0xa: {  	_ =	strace $0x80000047;
	s4 =	smul.u32 $0x138800, s4;
	s11 =	sor.u32 s26, s22  }
0xb: {  	s9 =	sshrl.u32 s7, $0x1;
	s8 =	sshrl.u32 s8, $0x2;
	s10 =	smul.u32 $0x7D00, s11  }
0xc: {  	s26 =	simm.s32 $0x50;
	s9 =	ssub.s32 s7, s9;
	s29 =	smul.u32 $0x27100, s11  }
0xd: {  	s7 =	sadd.s32 s8, s5;
	s16 =	smul.u32 $0x2710, s11;
	s30 =	sadd.s32 s12, s20  }
0xe: {  	s4 =	sshrl.u32 s4, $0x3;
	s8 =	sadd.s32 $0x2800, s7;
	s23 =	sadd.s32 $0x5000, s7  }
0xf: {  	s24 =	sadd.s32 $0x7800, s7;
	s25 =	sadd.s32 $0xA000, s7;
	[dreg:$0x6] =	wrdreg s8  }
0x10: {  	s13 =	sadd.s32 $0xC800, s7;
	s14 =	sadd.s32 $0xF000, s7;
	[dreg:$0x7] =	wrdreg s23  }
0x11: {  	s15 =	sadd.s32 $0x11800, s7;
	s21 =	sadd.s32 s0, s30;
	[dreg:$0x8] =	wrdreg s24  }
0x12: {  	s0 =	sadd.s32 s0, s4;
	[dreg:$0x9] =	wrdreg s25;
	s17 =	sshrl.u32 s10, $0x3  }
0x13: {  	s18 =	sadd.s32 s3, s29;
	s22 =	sadd.s32 $0x25080, s0;
	s23 =	smax.u32 s9, $0x1  }
0x14: {  	s24 =	simm.s32 $0x5400;
	s25 =	simm.s32 $0x4;
	s17 =	sadd.s32 s2, s17  }
0x15: {  	v0 =	vimm.f32 $0.0e+00;
	s0 =	simm.s32 $0x2;
	s19 =	sadd.s32 $0x20, s17;
	s20 =	sadd.s32 $0x40, s17  }
.LBB2_1:
0x16: {  	s4 =	simm.s32 $0x0;
	s8 =	simm.s32 $0x200  }
.LBB2_2:
0x17: {  	p1 =	sne.s32 s8, $0x9E00;
	[tilespmem:s4+$0x5470] =	vst v0  }
0x18: {  	[tilespmem:s4+$0x5400] =	vst v0  }
0x19: {  	[tilespmem:s4+$0x5410] =	vst v0  }
.Ltmp0:
0x1a: {  	[tilespmem:s4+$0x5420] =	vst v0;
	(pc) =	sbr.rel @p1 .LBB2_2-.Ltmp0, $4  }
0x1b: {  	[tilespmem:s4+$0x5430] =	vst v0  }
0x1c: {  	[tilespmem:s4+$0x5440] =	vst v0  }
0x1d: {  	[tilespmem:s4+$0x5450] =	vst v0  }
0x1e: {  	[tilespmem:s4+$0x5460] =	vst v0;
	s4 =	sshra.s32 s8, $0x2;
	s8 =	sadd.s32 $0x200, s8  }
0x1f: {  	[tilespmem:s4+$0x5470] =	vst v0  }
0x20: {  	[tilespmem:s4+$0x5400] =	vst v0  }
0x21: {  	[tilespmem:s4+$0x5410] =	vst v0  }
0x22: {  	[tilespmem:s4+$0x5420] =	vst v0  }
0x23: {  	[tilespmem:s4+$0x5430] =	vst v0  }
0x24: {  	[tilespmem:s4+$0x5440] =	vst v0  }
0x25: {  	[tilespmem:s4+$0x5450] =	vst v0  }
0x26: {  	[tilespmem:s4+$0x5460] =	vst v0  }
0x27: {  	[spmem:s7] =	stream.linear.scatter [tilespmem:s24], [sflag:$0x4], $0x2800, $0x38;
	[tilespmem:$0x1B800] =	vst v63  }
0x28: {  	_ =	swait.ge [sflag:s25], $0x2800  }
0x29: {  	[sflag:s25] =	ssyncset.done $0x0  }
0x2a: {  	s12 =	rddreg [dreg:$0x6];
	[sflag:s25] =	ssyncadd.s32 $0xFFFFD800  }
0x2b: {  	[spmem:s12] =	stream.linear.scatter [tilespmem:s24], [sflag:$0x4], $0x2800, $0x38;
	[tilespmem:$0x1B800] =	vst v63  }
0x2c: {  	_ =	swait.ge [sflag:s25], $0x2800  }
0x2d: {  	[sflag:s25] =	ssyncset.done $0x0  }
0x2e: {  	s30 =	rddreg [dreg:$0x7];
	[sflag:s25] =	ssyncadd.s32 $0xFFFFD800  }
0x2f: {  	[spmem:s30] =	stream.linear.scatter [tilespmem:s24], [sflag:$0x4], $0x2800, $0x38;
	[tilespmem:$0x1B800] =	vst v63  }
0x30: {  	_ =	swait.ge [sflag:s25], $0x2800  }
0x31: {  	[sflag:s25] =	ssyncset.done $0x0  }
0x32: {  	s8 =	rddreg [dreg:$0x8];
	[sflag:s25] =	ssyncadd.s32 $0xFFFFD800  }
0x33: {  	[spmem:s8] =	stream.linear.scatter [tilespmem:s24], [sflag:$0x4], $0x2800, $0x38;
	[tilespmem:$0x1B800] =	vst v63  }
0x34: {  	_ =	swait.ge [sflag:s25], $0x2800  }
0x35: {  	[sflag:s25] =	ssyncset.done $0x0  }
0x36: {  	s9 =	rddreg [dreg:$0x9];
	[sflag:s25] =	ssyncadd.s32 $0xFFFFD800  }
0x37: {  	[spmem:s9] =	stream.linear.scatter [tilespmem:s24], [sflag:$0x4], $0x2800, $0x38;
	[tilespmem:$0x1B800] =	vst v63  }
0x38: {  	_ =	swait.ge [sflag:s25], $0x2800  }
0x39: {  	[sflag:s25] =	ssyncset.done $0x0  }
0x3a: {  	[sflag:s25] =	ssyncadd.s32 $0xFFFFD800  }
0x3b: {  	[spmem:s13] =	stream.linear.scatter [tilespmem:s24], [sflag:$0x4], $0x2800, $0x38;
	[tilespmem:$0x1B800] =	vst v63  }
0x3c: {  	_ =	swait.ge [sflag:s25], $0x2800  }
0x3d: {  	[sflag:s25] =	ssyncset.done $0x0  }
0x3e: {  	[sflag:s25] =	ssyncadd.s32 $0xFFFFD800  }
0x3f: {  	[spmem:s14] =	stream.linear.scatter [tilespmem:s24], [sflag:$0x4], $0x2800, $0x38;
	[tilespmem:$0x1B800] =	vst v63  }
0x40: {  	_ =	swait.ge [sflag:s25], $0x2800  }
0x41: {  	[sflag:s25] =	ssyncset.done $0x0  }
0x42: {  	[sflag:s25] =	ssyncadd.s32 $0xFFFFD800  }
0x43: {  	[spmem:s15] =	stream.linear.scatter [tilespmem:s24], [sflag:$0x4], $0x2400, $0x38;
	[tilespmem:$0x1B800] =	vst v63  }
0x44: {  	_ =	swait.ge [sflag:s25], $0x2400  }
0x45: {  	[sflag:s25] =	ssyncset.done $0x0  }
0x46: {  	[sflag:s25] =	ssyncadd.s32 $0xFFFFDC00  }
0x47: {  	s29 =	simm.s32 $0x0;
	[bflag:$0x0] =	sbarrier.arrive $0xFFFF  }
0x48: {  	[tilespmem:s29], [sflag:$0x4] =	stream.linear.gather [hbm4b:s17+s29], $0x100, $0x38;
	[tilespmem:$0x1B800] =	vst v63  }
0x49: {  	_ =	swait.ge [sflag:s25], $0x100  }
0x4a: {  	[sflag:s25] =	ssyncset.done $0x0  }
0x4b: {  	s11 =	simm.s32 $0x400;
	[sflag:s25] =	ssyncadd.s32 $0xFFFFFF00  }
0x4c: {  	[tilespmem:s11], [sflag:$0x2] =	stream.indirect.gather [hbm4b:s1+s26], $0x80, s29, s26, $0xb8;
	[tilespmem:$0x1B800] =	vst v63  }
0x4d: {  	_ = 	snop  }
0x4e: {  	[tilespmem:s24], [sflag:$0x2] =	stream.linear.gather [hbm4b:s18+s29], $0x2800, $0x38;
	[tilespmem:$0x1B800] =	vst v63  }
0x4f: {  	s12 =	simm.s32 $0x100  }
0x50: {  	[tilespmem:s12], [sflag:$0x1] =	stream.linear.gather [hbm4b:s19+s29], $0x100, $0x38;
	[tilespmem:$0x1B800] =	vst v63  }
0x51: {  	p1 =	por $0x0, $0x0;
	s30 =	simm.s32 $0x200  }
0x52: {  	[tilespmem:s30], [sflag:$0x1] =	stream.linear.gather [hbm4b:s20+s29], $0x100, $0x38;
	[tilespmem:$0x1B800] =	vst v63  }
.LBB2_4:
0x53: {  	p2 =	seq.s32 s29, $0x0  }
0x54: {  	s4 =	smul.u32 @!p2 $0x50, s29;
	_ =	sdelay $0x1  }
0x55: {  	s4 =	sadd.s32 @!p2 s16, s4  }
0x56: {  	s8 =	simm.s32 @!p2 $0x0;
	p3 =	seq.s32 @!p2 s29, $0x7C;
	s4 =	sshll.u32 @!p2 s4, $0x4  }
0x57: {  	s9 =	simm.s32 @!p2 $0x5400;
	p3 =	por p2, !p3;
	s4 =	sadd.s32 @!p2 s3, s4  }
0x58: {  	[tilespmem:s9], [sflag:$0x2] =	stream.linear.gather @!p2 [hbm4b:s4+s8], $0x2800, $0x38;
	[tilespmem:$0x1B800] =	vst v63  }
.Ltmp1:
0x59: {  	_ = 	snop;
	(pc) =	sbr.rel @p3 .LBB2_5-.Ltmp1, $4  }
0x5a: {  	s8 =	simm.s32 @!p2 $0x3  }
0x5b: {  	_ =	swait.ge @!p2 [sflag:s8], $0x2800  }
0x5c: {  	[sflag:s8] =	ssyncset.done @!p2 $0x0  }
0x5d: {  	s30 =	sadd.s32 $0x1, s29;
	s4 =	sand.u32 $0x1, s29;
	[sflag:s8] =	ssyncadd.s32 @!p2 $0xFFFFD800  }
.Ltmp2:
0x5e: {  	(pc) =	sbr.rel .LBB2_6-.Ltmp2, $4  }
0x5f: {  	_ = 	snop  }
0x60: {  	_ =	swait.ge [sflag:s0], $0x5000  }
0x61: {  	[sflag:s0] =	ssyncset.done $0x0  }
0x62: {  	[sflag:s0] =	ssyncadd.s32 $0xFFFFB000  }
.LBB2_5:
0x63: {  	p2 =	sgt.u32 s29, $0x79  }
0x64: {  	s8 =	sshll.u32 @!p2 s29, $0x8  }
0x65: {  	s8 =	sadd.s32 @!p2 $0x300, s8  }
0x66: {  	_ =	swait.ge [sflag:s31], $0x100;
	s9 =	sadd.s32 @!p2 s10, s8  }
0x67: {  	[sflag:s31] =	ssyncset.done $0x0;
	s11 =	simm.s32 @!p2 $0x0;
	s9 =	sshrl.u32 @!p2 s9, $0x3  }
0x68: {  	[sflag:s31] =	ssyncadd.s32 $0xFFFFFF00;
	s8 =	sand.u32 @!p2 $0x300, s8;
	s9 =	sadd.s32 @!p2 s2, s9  }
0x69: {  	[tilespmem:s8], [sflag:$0x1] =	stream.linear.gather @!p2 [hbm4b:s9+s11], $0x100, $0x38;
	[tilespmem:$0x1B800] =	vst v63  }
0x6a: {  	s11 =	sxor.u32 $0x1, s4  }
0x6b: {  	s8 =	smul.u32 $0xA000, s11  }
0x6c: {  	_ =	swait.ge [sflag:s0], $0x5000  }
0x6d: {  	s12 =	sshll.u32 s30, $0x8;
	[sflag:s0] =	ssyncset.done $0x0;
	s8 =	sshrl.u32 s8, $0x2  }
0x6e: {  	s9 =	sand.u32 $0x300, s12;
	[sflag:s0] =	ssyncadd.s32 $0xFFFFB000;
	s8 =	sor.u32 $0x400, s8  }
0x6f: {  	[tilespmem:s8], [sflag:$0x2] =	stream.indirect.gather [hbm4b:s1+s26], $0x80, s9, s26, $0xb8;
	[tilespmem:$0x1B800] =	vst v63  }
.LBB2_6:
0x70: {  	s9 =	simm.s32 $0x5600  }
0x71: {  	v2 =	vld [tilespmem:s9+$0x180]  }
0x72: {  	s8 =	simm.s32 $0x1;
	v3 =	vld [tilespmem:s9+$0xFFFFFE00]  }
0x73: {  	s8 =	simm.s32 @!p1 $0x0;
	v5 =	vld [tilespmem:s9+$0xFFFFFE80]  }
0x74: {  	v7 =	vld [tilespmem:s9+$0xFFFFFF00];
	s8 =	smul.u32 $0xA000, s8  }
0x75: {  	v8 =	vld [tilespmem:s9+$0xFFFFFF80]  }
0x76: {  	v11 =	vld [tilespmem:s9+$0x0];
	s8 =	sshrl.u32 s8, $0x2  }
0x77: {  	v13 =	vld [tilespmem:s9+$0x80];
	s8 =	sor.u32 $0x600, s8  }
0x78: {  	v1 =	vld [tilespmem:s8+$0x180]  }
0x79: {  	v4 =	vld [tilespmem:s8+$0xFFFFFE80]  }
0x7a: {  	v6 =	vld [tilespmem:s8+$0xFFFFFF00]  }
0x7b: {  	v10 =	vld [tilespmem:s8+$0x0]  }
0x7c: {  	v12 =	vld [tilespmem:s8+$0x80]  }
0x7d: {  	v14 =	vld [tilespmem:s8+$0x100]  }
0x7e: {  	v41 =	vld [tilespmem:s8+$0xFFFFFF10]  }
0x7f: {  	v42 =	vld [tilespmem:s8+$0xFFFFFF90]  }
0x80: {  	v43 =	vld [tilespmem:s8+$0x10]  }
0x81: {  	v44 =	vld [tilespmem:s8+$0xFFFFFF20]  }
0x82: {  	v45 =	vld [tilespmem:s8+$0xFFFFFFA0]  }
0x83: {  	v46 =	vld [tilespmem:s8+$0x20]  }
0x84: {  	v15 =	vld [tilespmem:s8+$0xA0]  }
0x85: {  	v47 =	vld [tilespmem:s8+$0xFFFFFF30]  }
0x86: {  	v48 =	vld [tilespmem:s8+$0xFFFFFFB0]  }
0x87: {  	v49 =	vld [tilespmem:s8+$0x30]  }
0x88: {  	v51 =	vld [tilespmem:s8+$0xFFFFFFC0]  }
0x89: {  	v52 =	vld [tilespmem:s8+$0x40];
	v1 =	vadd.f32 v2, v1  }
0x8a: {  	v53 =	vld [tilespmem:s8+$0xC0]  }
0x8b: {  	[tilespmem:s8+$0x180] =	vst v1;
	v1 =	vld [tilespmem:s8+$0x190]  }
0x8c: {  	v2 =	vld [tilespmem:s9+$0x190]  }
0x8d: {  	v54 =	vld [tilespmem:s8+$0xFFFFFF50]  }
0x8e: {  	v55 =	vld [tilespmem:s8+$0xFFFFFFD0]  }
0x8f: {  	v56 =	vld [tilespmem:s8+$0xD0]  }
0x90: {  	v57 =	vld [tilespmem:s8+$0xFFFFFE60]  }
0x91: {  	v58 =	vld [tilespmem:s8+$0xFFFFFFE0];
	v1 =	vadd.f32 v2, v1  }
0x92: {  	v59 =	vld [tilespmem:s8+$0x60]  }
0x93: {  	[tilespmem:s8+$0x190] =	vst v1;
	v1 =	vld [tilespmem:s8+$0x1A0]  }
0x94: {  	v9 =	vld [tilespmem:s9+$0x1A0]  }
0x95: {  	v4 =	vadd.f32 v5, v4;
	v5 =	vld [tilespmem:s8+$0xFFFFFE00]  }
0x96: {  	v60 =	vld [tilespmem:s8+$0xE0]  }
0x97: {  	v2 =	vld [tilespmem:s8+$0xFFFFFF80]  }
0x98: {  	v61 =	vld [tilespmem:s8+$0xFFFFFE70]  }
0x99: {  	v1 =	vadd.f32 v9, v1;
	v9 =	vld [tilespmem:s9+$0x100]  }
0x9a: {  	v63 =	vld [tilespmem:s8+$0xFFFFFEF0];
	[tilespmem:s8+$0xFFFFFE80] =	vst v4;
	v3 =	vadd.f32 v3, v5  }
0x9b: {  	[tilespmem:s8+$0x1A0] =	vst v1;
	v1 =	vadd.f32 v7, v6;
	v6 =	vld [tilespmem:s8+$0x1B0]  }
0x9c: {  	[tilespmem:s8+$0xFFFFFE00] =	vst v3;
	v2 =	vadd.f32 v8, v2;
	v4 =	vld [tilespmem:s9+$0x1B0]  }
0x9d: {  	v7 =	vld [tilespmem:s9+$0xFFFFFE90];
	[tilespmem:s8+$0xFFFFFF00] =	vst v1;
	v1 =	vadd.f32 v11, v10  }
0x9e: {  	[tilespmem:s8+$0xFFFFFF80] =	vst v2;
	v10 =	vld [tilespmem:s8+$0xFFFFFE10];
	v5 =	vadd.f32 v9, v14  }
0x9f: {  	v2 =	vadd.f32 v13, v12;
	[tilespmem:s8+$0x0] =	vst v1;
	v1 =	vld [tilespmem:s9+$0xFFFFFF90]  }
0xa0: {  	[tilespmem:s8+$0x100] =	vst v5;
	v5 =	vld [tilespmem:s9+$0xFFFFFE10]  }
0xa1: {  	[tilespmem:s8+$0x80] =	vst v2;
	v2 =	vld [tilespmem:s9+$0x10];
	v4 =	vadd.f32 v4, v6  }
0xa2: {  	v6 =	vld [tilespmem:s9+$0x110]  }
0xa3: {  	[tilespmem:s8+$0x1B0] =	vst v4;
	v4 =	vld [tilespmem:s8+$0x1C0]  }
0xa4: {  	v9 =	vld [tilespmem:s9+$0x1C0]  }
0xa5: {  	v5 =	vadd.f32 v5, v10;
	v10 =	vld [tilespmem:s8+$0x110]  }
0xa6: {  	v3 =	vld [tilespmem:s9+$0x90]  }
0xa7: {  	v11 =	vld [tilespmem:s8+$0xFFFFFE90];
	v1 =	vadd.f32 v1, v42  }
0xa8: {  	v8 =	vld [tilespmem:s9+$0xFFFFFF10];
	v2 =	vadd.f32 v2, v43  }
0xa9: {  	[tilespmem:s8+$0xFFFFFF90] =	vst v1;
	v4 =	vadd.f32 v9, v4;
	v9 =	vld [tilespmem:s8+$0x90]  }
0xaa: {  	[tilespmem:s8+$0x10] =	vst v2;
	v2 =	vadd.f32 v6, v10;
	v6 =	vld [tilespmem:s9+$0xFFFFFFA0]  }
0xab: {  	v10 =	vld [tilespmem:s8+$0xFFFFFE20]  }
0xac: {  	[tilespmem:s8+$0x1C0] =	vst v4;
	v4 =	vadd.f32 v7, v11;
	v7 =	vld [tilespmem:s8+$0x1D0]  }
0xad: {  	v11 =	vld [tilespmem:s8+$0xFFFFFEA0]  }
0xae: {  	[tilespmem:s8+$0xFFFFFE10] =	vst v5;
	v5 =	vadd.f32 v8, v41;
	v8 =	vld [tilespmem:s9+$0x1D0]  }
0xaf: {  	[tilespmem:s8+$0xFFFFFE90] =	vst v4;
	v4 =	vld [tilespmem:s9+$0xFFFFFE20]  }
0xb0: {  	[tilespmem:s8+$0xFFFFFF10] =	vst v5;
	v5 =	vld [tilespmem:s9+$0xFFFFFEA0];
	v1 =	vadd.f32 v3, v9  }
0xb1: {  	v3 =	vld [tilespmem:s9+$0xFFFFFF20]  }
0xb2: {  	v9 =	vld [tilespmem:s9+$0x20];
	[tilespmem:s8+$0x90] =	vst v1  }
0xb3: {  	[tilespmem:s8+$0x110] =	vst v2;
	v1 =	vadd.f32 v8, v7;
	v7 =	vld [tilespmem:s9+$0xA0]  }
0xb4: {  	v8 =	vld [tilespmem:s9+$0x120]  }
0xb5: {  	[tilespmem:s8+$0x1D0] =	vst v1;
	v1 =	vld [tilespmem:s8+$0x1E0];
	v5 =	vadd.f32 v5, v11  }
0xb6: {  	v3 =	vadd.f32 v3, v44;
	v2 =	vld [tilespmem:s9+$0x1E0]  }
0xb7: {  	v11 =	vld [tilespmem:s8+$0xFFFFFEB0];
	[tilespmem:s8+$0xFFFFFEA0] =	vst v5;
	v5 =	vadd.f32 v6, v45  }
0xb8: {  	[tilespmem:s8+$0xFFFFFF20] =	vst v3;
	v3 =	vadd.f32 v9, v46;
	v9 =	vld [tilespmem:s9+$0xFFFFFEB0]  }
0xb9: {  	[tilespmem:s8+$0xFFFFFFA0] =	vst v5;
	v5 =	vadd.f32 v7, v15;
	v7 =	vld [tilespmem:s9+$0xFFFFFF30]  }
0xba: {  	[tilespmem:s8+$0x20] =	vst v3;
	v3 =	vld [tilespmem:s9+$0xFFFFFFB0]  }
0xbb: {  	v1 =	vadd.f32 v2, v1;
	v2 =	vadd.f32 v4, v10;
	v4 =	vld [tilespmem:s8+$0x120]  }
0xbc: {  	[tilespmem:s8+$0xA0] =	vst v5;
	v5 =	vld [tilespmem:s9+$0x30]  }
0xbd: {  	[tilespmem:s8+$0x1E0] =	vst v1;
	v1 =	vld [tilespmem:s8+$0x1F0]  }
0xbe: {  	v9 =	vadd.f32 v9, v11;
	v11 =	vld [tilespmem:s8+$0x130]  }
0xbf: {  	[tilespmem:s8+$0xFFFFFE20] =	vst v2;
	v2 =	vld [tilespmem:s9+$0x1F0]  }
0xc0: {  	v6 =	vld [tilespmem:s9+$0xFFFFFE30];
	v4 =	vadd.f32 v8, v4  }
0xc1: {  	v8 =	vld [tilespmem:s9+$0xB0]  }
0xc2: {  	v7 =	vadd.f32 v7, v47;
	[tilespmem:s8+$0x120] =	vst v4;
	v4 =	vld [tilespmem:s8+$0xFFFFFE30]  }
0xc3: {  	[tilespmem:s8+$0xFFFFFEB0] =	vst v9;
	v10 =	vld [tilespmem:s9+$0x130]  }
0xc4: {  	v9 =	vld [tilespmem:s9+$0xFFFFFEC0];
	[tilespmem:s8+$0xFFFFFF30] =	vst v7;
	v1 =	vadd.f32 v2, v1  }
0xc5: {  	v7 =	vld [tilespmem:s9+$0xFFFFFF40]  }
0xc6: {  	v5 =	vadd.f32 v5, v49;
	[tilespmem:s8+$0x1F0] =	vst v1;
	v1 =	vld [tilespmem:s8+$0xF0]  }
0xc7: {  	v4 =	vadd.f32 v6, v4;
	v6 =	vld [tilespmem:s8+$0xB0]  }
0xc8: {  	[tilespmem:s8+$0x30] =	vst v5;
	v5 =	vadd.f32 v10, v11;
	v11 =	vld [tilespmem:s8+$0xFFFFFF40]  }
0xc9: {  	[tilespmem:s8+$0xFFFFFE30] =	vst v4;
	v4 =	vld [tilespmem:s8+$0xFFFFFE40]  }
0xca: {  	v50 =	vld [tilespmem:s9+$0xFFFFFE40]  }
0xcb: {  	v3 =	vadd.f32 v3, v48;
	v10 =	vld [tilespmem:s8+$0xFFFFFEC0];
	[tilespmem:s8+$0x130] =	vst v5  }
0xcc: {  	v5 =	vld [tilespmem:s9+$0x140]  }
0xcd: {  	[tilespmem:s8+$0xFFFFFFB0] =	vst v3;
	v3 =	vadd.f32 v8, v6;
	v8 =	vld [tilespmem:s9+$0x40]  }
0xce: {  	v6 =	vld [tilespmem:s9+$0xFFFFFFC0];
	v7 =	vadd.f32 v7, v11  }
0xcf: {  	v11 =	vld [tilespmem:s8+$0xFFFFFE50];
	[tilespmem:s8+$0xB0] =	vst v3;
	v4 =	vadd.f32 v50, v4  }
0xd0: {  	v3 =	vld [tilespmem:s9+$0xC0];
	[tilespmem:s8+$0xFFFFFF40] =	vst v7  }
0xd1: {  	[tilespmem:s8+$0xFFFFFE40] =	vst v4;
	v4 =	vadd.f32 v9, v10;
	v9 =	vld [tilespmem:s8+$0x140]  }
0xd2: {  	v7 =	vadd.f32 v8, v52;
	v8 =	vld [tilespmem:s9+$0xFFFFFF50]  }
0xd3: {  	v10 =	vld [tilespmem:s9+$0xFFFFFE50];
	[tilespmem:s8+$0xFFFFFEC0] =	vst v4;
	v4 =	vadd.f32 v6, v51  }
0xd4: {  	[tilespmem:s8+$0x40] =	vst v7;
	v6 =	vld [tilespmem:s9+$0xFFFFFED0]  }
0xd5: {  	v3 =	vadd.f32 v3, v53;
	v7 =	vld [tilespmem:s9+$0x50];
	[tilespmem:s8+$0xFFFFFFC0] =	vst v4  }
0xd6: {  	v4 =	vld [tilespmem:s9+$0xFFFFFFD0]  }
0xd7: {  	v5 =	vadd.f32 v5, v9;
	[tilespmem:s8+$0xC0] =	vst v3;
	v9 =	vld [tilespmem:s8+$0xFFFFFED0]  }
0xd8: {  	v8 =	vadd.f32 v8, v54;
	v3 =	vld [tilespmem:s9+$0xD0]  }
0xd9: {  	v10 =	vadd.f32 v10, v11;
	v11 =	vld [tilespmem:s8+$0x50];
	[tilespmem:s8+$0x140] =	vst v5  }
0xda: {  	[tilespmem:s8+$0xFFFFFF50] =	vst v8;
	v5 =	vld [tilespmem:s9+$0x150]  }
0xdb: {  	[tilespmem:s8+$0xFFFFFE50] =	vst v10;
	v8 =	vld [tilespmem:s9+$0xFFFFFF60]  }
0xdc: {  	v10 =	vld [tilespmem:s9+$0xFFFFFE60];
	v6 =	vadd.f32 v6, v9  }
0xdd: {  	v9 =	vld [tilespmem:s8+$0x150];
	v4 =	vadd.f32 v4, v55  }
0xde: {  	v7 =	vadd.f32 v7, v11;
	v11 =	vld [tilespmem:s8+$0xFFFFFF60];
	[tilespmem:s8+$0xFFFFFED0] =	vst v6  }
0xdf: {  	[tilespmem:s8+$0xFFFFFFD0] =	vst v4;
	v6 =	vld [tilespmem:s9+$0xFFFFFEE0]  }
0xe0: {  	v3 =	vadd.f32 v3, v56;
	v4 =	vld [tilespmem:s9+$0xFFFFFFE0];
	[tilespmem:s8+$0x50] =	vst v7  }
0xe1: {  	v7 =	vld [tilespmem:s9+$0x60]  }
0xe2: {  	[tilespmem:s8+$0xD0] =	vst v3;
	v10 =	vadd.f32 v10, v57;
	v5 =	vadd.f32 v5, v9;
	v9 =	vld [tilespmem:s8+$0xFFFFFEE0]  }
0xe3: {  	v3 =	vld [tilespmem:s9+$0xE0]  }
0xe4: {  	[tilespmem:s8+$0xFFFFFE60] =	vst v10;
	v10 =	vld [tilespmem:s8+$0xFFFFFF70]  }
0xe5: {  	v8 =	vadd.f32 v8, v11;
	[tilespmem:s8+$0x150] =	vst v5;
	v11 =	vld [tilespmem:s9+$0xFFFFFE70];
	v4 =	vadd.f32 v4, v58  }
0xe6: {  	v5 =	vld [tilespmem:s9+$0x160]  }
0xe7: {  	v6 =	vadd.f32 v6, v9;
	v9 =	vld [tilespmem:s8+$0x160];
	[tilespmem:s8+$0xFFFFFFE0] =	vst v4  }
0xe8: {  	[tilespmem:s8+$0xFFFFFF60] =	vst v8;
	v3 =	vadd.f32 v3, v60;
	v4 =	vld [tilespmem:s9+$0xFFFFFFF0]  }
0xe9: {  	[tilespmem:s8+$0xFFFFFEE0] =	vst v6;
	v6 =	vadd.f32 v7, v59;
	v7 =	vld [tilespmem:s9+$0xFFFFFF70]  }
0xea: {  	[tilespmem:s8+$0xE0] =	vst v3;
	v62 =	vld [tilespmem:s9+$0xFFFFFEF0]  }
0xeb: {  	[tilespmem:s8+$0x60] =	vst v6;
	v6 =	vld [tilespmem:s9+$0xF0]  }
0xec: {  	v8 =	vadd.f32 v5, v9;
	v5 =	vld [tilespmem:s9+$0x70]  }
0xed: {  	v2 =	vadd.f32 v11, v61;
	v9 =	vld [tilespmem:s8+$0xFFFFFFF0]  }
0xee: {  	[tilespmem:s8+$0x160] =	vst v8;
	v8 =	vld [tilespmem:s8+$0x70]  }
0xef: {  	[tilespmem:s8+$0xFFFFFE70] =	vst v2;
	v2 =	vld [tilespmem:s8+$0x170]  }
0xf0: {  	s11 =	simm.s32 $0x0;
	s12 =	sadd.s32 $0x400, s8;
	v3 =	vld [tilespmem:s9+$0x170];
	v11 =	vadd.f32 v62, v63  }
.LBB2_7:
0xf1: {  	v12 =	vld [tilespmem:s12+$0x180];
	v7 =	vadd.f32 v7, v10;
	s9 =	sadd.s32 $0x400, s9  }
0xf2: {  	s11 =	sadd.s32 $0x8, s11;
	v10 =	vld [tilespmem:s9+$0x180];
	[tilespmem:s8+$0xFFFFFEF0] =	vst v11;
	v4 =	vadd.f32 v4, v9  }
0xf3: {  	p2 =	slt.u32 s11, $0x48;
	v9 =	vld [tilespmem:s9+$0xFFFFFE00];
	[tilespmem:s8+$0xFFFFFF70] =	vst v7;
	v5 =	vadd.f32 v5, v8  }
0xf4: {  	v7 =	vld [tilespmem:s12+$0xFFFFFE80];
	[tilespmem:s8+$0xFFFFFFF0] =	vst v4;
	v1 =	vadd.f32 v6, v1  }
0xf5: {  	v4 =	vld [tilespmem:s9+$0xFFFFFE80];
	[tilespmem:s8+$0x70] =	vst v5;
	v2 =	vadd.f32 v3, v2  }
0xf6: {  	v3 =	vld [tilespmem:s12+$0xFFFFFF00];
	[tilespmem:s8+$0xF0] =	vst v1  }
0xf7: {  	v1 =	vld [tilespmem:s9+$0xFFFFFF00];
	v5 =	vadd.f32 v10, v12;
	[tilespmem:s8+$0x170] =	vst v2;
	s8 =	smov.u32 s12  }
0xf8: {  	v2 =	vld [tilespmem:s12+$0xFFFFFF80]  }
0xf9: {  	[tilespmem:s12+$0x180] =	vst v5;
	v5 =	vld [tilespmem:s12+$0x190]  }
0xfa: {  	v4 =	vadd.f32 v4, v7;
	v6 =	vld [tilespmem:s9+$0x190]  }
0xfb: {  	v7 =	vld [tilespmem:s9+$0xFFFFFF80]  }
0xfc: {  	[tilespmem:s12+$0xFFFFFE80] =	vst v4;
	v1 =	vadd.f32 v1, v3;
	v3 =	vld [tilespmem:s12+$0x0]  }
0xfd: {  	v4 =	vld [tilespmem:s9+$0x0]  }
0xfe: {  	[tilespmem:s12+$0xFFFFFF00] =	vst v1;
	v1 =	vld [tilespmem:s12+$0x80]  }
0xff: {  	v8 =	vld [tilespmem:s9+$0x80];
	v5 =	vadd.f32 v6, v5  }
0x100: {  	v2 =	vadd.f32 v7, v2;
	v6 =	vld [tilespmem:s12+$0x100]  }
0x101: {  	[tilespmem:s12+$0x190] =	vst v5;
	v5 =	vld [tilespmem:s12+$0x1A0]  }
0x102: {  	[tilespmem:s12+$0xFFFFFF80] =	vst v2;
	v2 =	vadd.f32 v4, v3;
	v3 =	vld [tilespmem:s9+$0x1A0]  }
0x103: {  	v4 =	vld [tilespmem:s9+$0x100]  }
0x104: {  	v7 =	vld [tilespmem:s12+$0xFFFFFE00];
	[tilespmem:s12+$0x0] =	vst v2;
	v1 =	vadd.f32 v8, v1  }
0x105: {  	v2 =	vld [tilespmem:s9+$0xFFFFFE90]  }
0x106: {  	v8 =	vld [tilespmem:s9+$0xFFFFFF10];
	[tilespmem:s12+$0x80] =	vst v1  }
0x107: {  	v1 =	vld [tilespmem:s9+$0xFFFFFF90];
	v3 =	vadd.f32 v3, v5  }
0x108: {  	v5 =	vld [tilespmem:s9+$0x10];
	v4 =	vadd.f32 v4, v6  }
0x109: {  	v6 =	vadd.f32 v9, v7;
	[tilespmem:s12+$0x1A0] =	vst v3;
	v3 =	vld [tilespmem:s12+$0x1B0]  }
0x10a: {  	[tilespmem:s12+$0x100] =	vst v4;
	v4 =	vld [tilespmem:s9+$0x1B0]  }
0x10b: {  	[tilespmem:s12+$0xFFFFFE00] =	vst v6;
	v6 =	vld [tilespmem:s9+$0x90]  }
0x10c: {  	v7 =	vld [tilespmem:s9+$0xFFFFFE10]  }
0x10d: {  	v9 =	vld [tilespmem:s9+$0x110]  }
0x10e: {  	v10 =	vld [tilespmem:s12+$0xFFFFFE10]  }
0x10f: {  	v11 =	vld [tilespmem:s12+$0xFFFFFE90];
	v3 =	vadd.f32 v4, v3  }
0x110: {  	v4 =	vld [tilespmem:s12+$0xFFFFFF10]  }
0x111: {  	[tilespmem:s12+$0x1B0] =	vst v3;
	v3 =	vld [tilespmem:s12+$0x1C0]  }
0x112: {  	v12 =	vld [tilespmem:s9+$0x1C0]  }
0x113: {  	v7 =	vadd.f32 v7, v10;
	v10 =	vld [tilespmem:s12+$0xFFFFFF90]  }
0x114: {  	v2 =	vadd.f32 v2, v11;
	v11 =	vld [tilespmem:s12+$0x10]  }
0x115: {  	[tilespmem:s12+$0xFFFFFE10] =	vst v7;
	v4 =	vadd.f32 v8, v4;
	v7 =	vld [tilespmem:s12+$0x90]  }
0x116: {  	[tilespmem:s12+$0xFFFFFE90] =	vst v2;
	v2 =	vld [tilespmem:s12+$0x110]  }
0x117: {  	v8 =	vld [tilespmem:s9+$0xFFFFFE20];
	[tilespmem:s12+$0xFFFFFF10] =	vst v4;
	v3 =	vadd.f32 v12, v3  }
0x118: {  	v4 =	vld [tilespmem:s9+$0xFFFFFEA0];
	v1 =	vadd.f32 v1, v10  }
0x119: {  	v5 =	vadd.f32 v5, v11;
	[tilespmem:s12+$0x1C0] =	vst v3;
	v3 =	vld [tilespmem:s12+$0x1D0]  }
0x11a: {  	[tilespmem:s12+$0xFFFFFF90] =	vst v1;
	v1 =	vadd.f32 v6, v7;
	v6 =	vld [tilespmem:s9+$0x1D0]  }
0x11b: {  	v7 =	vld [tilespmem:s9+$0xFFFFFF20];
	[tilespmem:s12+$0x10] =	vst v5;
	v2 =	vadd.f32 v9, v2  }
0x11c: {  	v5 =	vld [tilespmem:s9+$0xFFFFFFA0];
	[tilespmem:s12+$0x90] =	vst v1  }
0x11d: {  	v1 =	vld [tilespmem:s9+$0x20];
	[tilespmem:s12+$0x110] =	vst v2  }
0x11e: {  	v2 =	vld [tilespmem:s9+$0xA0]  }
0x11f: {  	v9 =	vld [tilespmem:s9+$0x120];
	v3 =	vadd.f32 v6, v3  }
0x120: {  	v6 =	vld [tilespmem:s12+$0xFFFFFE20]  }
0x121: {  	[tilespmem:s12+$0x1D0] =	vst v3;
	v3 =	vld [tilespmem:s12+$0x1E0]  }
0x122: {  	v10 =	vld [tilespmem:s9+$0x1E0]  }
0x123: {  	v11 =	vld [tilespmem:s12+$0xFFFFFEA0]  }
0x124: {  	v12 =	vld [tilespmem:s12+$0xFFFFFF20]  }
0x125: {  	v6 =	vadd.f32 v8, v6;
	v8 =	vld [tilespmem:s12+$0xFFFFFFA0]  }
0x126: {  	v13 =	vld [tilespmem:s12+$0x20]  }
0x127: {  	[tilespmem:s12+$0xFFFFFE20] =	vst v6;
	v6 =	vld [tilespmem:s12+$0xA0];
	v3 =	vadd.f32 v10, v3  }
0x128: {  	v4 =	vadd.f32 v4, v11;
	v10 =	vld [tilespmem:s12+$0x120]  }
0x129: {  	v7 =	vadd.f32 v7, v12;
	[tilespmem:s12+$0x1E0] =	vst v3;
	v3 =	vld [tilespmem:s12+$0x1F0]  }
0x12a: {  	[tilespmem:s12+$0xFFFFFEA0] =	vst v4;
	v4 =	vadd.f32 v5, v8;
	v5 =	vld [tilespmem:s9+$0x1F0]  }
0x12b: {  	v8 =	vld [tilespmem:s9+$0xFFFFFE30];
	[tilespmem:s12+$0xFFFFFF20] =	vst v7;
	v1 =	vadd.f32 v1, v13  }
0x12c: {  	v7 =	vld [tilespmem:s9+$0xFFFFFEB0];
	[tilespmem:s12+$0xFFFFFFA0] =	vst v4;
	v2 =	vadd.f32 v2, v6  }
0x12d: {  	v4 =	vld [tilespmem:s9+$0xFFFFFF30];
	[tilespmem:s12+$0x20] =	vst v1;
	v1 =	vadd.f32 v9, v10  }
0x12e: {  	v6 =	vld [tilespmem:s9+$0xFFFFFFB0];
	[tilespmem:s12+$0xA0] =	vst v2  }
0x12f: {  	v2 =	vld [tilespmem:s9+$0x30];
	[tilespmem:s12+$0x120] =	vst v1;
	v1 =	vadd.f32 v5, v3  }
0x130: {  	v3 =	vld [tilespmem:s9+$0xB0]  }
0x131: {  	v5 =	vld [tilespmem:s9+$0x130];
	[tilespmem:s12+$0x1F0] =	vst v1  }
0x132: {  	v1 =	vld [tilespmem:s12+$0xFFFFFE30]  }
0x133: {  	v9 =	vld [tilespmem:s12+$0xFFFFFEB0]  }
0x134: {  	v10 =	vld [tilespmem:s12+$0xFFFFFF30]  }
0x135: {  	v11 =	vld [tilespmem:s12+$0xFFFFFFB0]  }
0x136: {  	v12 =	vld [tilespmem:s12+$0x30]  }
0x137: {  	v1 =	vadd.f32 v8, v1;
	v8 =	vld [tilespmem:s12+$0xB0]  }
0x138: {  	v7 =	vadd.f32 v7, v9;
	v9 =	vld [tilespmem:s12+$0x130]  }
0x139: {  	[tilespmem:s12+$0xFFFFFE30] =	vst v1;
	v1 =	vld [tilespmem:s12+$0xFFFFFE40];
	v4 =	vadd.f32 v4, v10  }
0x13a: {  	v10 =	vld [tilespmem:s9+$0xFFFFFE40];
	[tilespmem:s12+$0xFFFFFEB0] =	vst v7;
	v6 =	vadd.f32 v6, v11  }
0x13b: {  	v7 =	vld [tilespmem:s9+$0xFFFFFEC0];
	[tilespmem:s12+$0xFFFFFF30] =	vst v4;
	v2 =	vadd.f32 v2, v12  }
0x13c: {  	v4 =	vld [tilespmem:s9+$0xFFFFFF40];
	[tilespmem:s12+$0xFFFFFFB0] =	vst v6;
	v3 =	vadd.f32 v3, v8  }
0x13d: {  	v6 =	vld [tilespmem:s9+$0xFFFFFFC0];
	[tilespmem:s12+$0x30] =	vst v2;
	v2 =	vadd.f32 v5, v9  }
0x13e: {  	v5 =	vld [tilespmem:s9+$0x40];
	[tilespmem:s12+$0xB0] =	vst v3  }
0x13f: {  	v1 =	vadd.f32 v10, v1;
	v3 =	vld [tilespmem:s9+$0xC0];
	[tilespmem:s12+$0x130] =	vst v2  }
0x140: {  	v2 =	vld [tilespmem:s9+$0x140]  }
0x141: {  	[tilespmem:s12+$0xFFFFFE40] =	vst v1;
	v1 =	vld [tilespmem:s12+$0xFFFFFEC0]  }
0x142: {  	v8 =	vld [tilespmem:s12+$0xFFFFFF40]  }
0x143: {  	v9 =	vld [tilespmem:s12+$0xFFFFFFC0]  }
0x144: {  	v10 =	vld [tilespmem:s12+$0x40]  }
0x145: {  	v11 =	vld [tilespmem:s12+$0xC0]  }
0x146: {  	v1 =	vadd.f32 v7, v1;
	v7 =	vld [tilespmem:s12+$0x140]  }
0x147: {  	v12 =	vld [tilespmem:s9+$0xFFFFFE50];
	v4 =	vadd.f32 v4, v8  }
0x148: {  	v8 =	vld [tilespmem:s12+$0xFFFFFE50];
	[tilespmem:s12+$0xFFFFFEC0] =	vst v1;
	v1 =	vadd.f32 v6, v9  }
0x149: {  	v6 =	vld [tilespmem:s9+$0xFFFFFED0];
	[tilespmem:s12+$0xFFFFFF40] =	vst v4;
	v4 =	vadd.f32 v5, v10  }
0x14a: {  	v5 =	vld [tilespmem:s9+$0xFFFFFF50];
	[tilespmem:s12+$0xFFFFFFC0] =	vst v1;
	v1 =	vadd.f32 v3, v11  }
0x14b: {  	v3 =	vld [tilespmem:s9+$0xFFFFFFD0];
	[tilespmem:s12+$0x40] =	vst v4;
	v2 =	vadd.f32 v2, v7  }
0x14c: {  	v4 =	vld [tilespmem:s9+$0x50];
	[tilespmem:s12+$0xC0] =	vst v1  }
0x14d: {  	v1 =	vadd.f32 v12, v8;
	v7 =	vld [tilespmem:s9+$0xD0];
	[tilespmem:s12+$0x140] =	vst v2  }
0x14e: {  	v2 =	vld [tilespmem:s9+$0x150]  }
0x14f: {  	[tilespmem:s12+$0xFFFFFE50] =	vst v1;
	v1 =	vld [tilespmem:s12+$0xFFFFFED0]  }
0x150: {  	v8 =	vld [tilespmem:s12+$0xFFFFFF50]  }
0x151: {  	v9 =	vld [tilespmem:s12+$0xFFFFFFD0]  }
0x152: {  	v10 =	vld [tilespmem:s12+$0x50]  }
0x153: {  	v11 =	vld [tilespmem:s12+$0xD0]  }
0x154: {  	v1 =	vadd.f32 v6, v1;
	v6 =	vld [tilespmem:s12+$0x150]  }
0x155: {  	v12 =	vld [tilespmem:s9+$0xFFFFFE60];
	v5 =	vadd.f32 v5, v8  }
0x156: {  	v8 =	vld [tilespmem:s12+$0xFFFFFE60];
	[tilespmem:s12+$0xFFFFFED0] =	vst v1;
	v1 =	vadd.f32 v3, v9  }
0x157: {  	v3 =	vld [tilespmem:s9+$0xFFFFFEE0];
	[tilespmem:s12+$0xFFFFFF50] =	vst v5;
	v4 =	vadd.f32 v4, v10  }
0x158: {  	v5 =	vld [tilespmem:s9+$0xFFFFFF60];
	[tilespmem:s12+$0xFFFFFFD0] =	vst v1;
	v1 =	vadd.f32 v7, v11  }
0x159: {  	v7 =	vld [tilespmem:s9+$0xFFFFFFE0];
	[tilespmem:s12+$0x50] =	vst v4;
	v2 =	vadd.f32 v2, v6  }
0x15a: {  	v4 =	vld [tilespmem:s9+$0x60];
	[tilespmem:s12+$0xD0] =	vst v1  }
0x15b: {  	v1 =	vadd.f32 v12, v8;
	v6 =	vld [tilespmem:s9+$0xE0];
	[tilespmem:s12+$0x150] =	vst v2  }
0x15c: {  	v2 =	vld [tilespmem:s9+$0x160]  }
0x15d: {  	[tilespmem:s12+$0xFFFFFE60] =	vst v1;
	v1 =	vld [tilespmem:s12+$0xFFFFFEE0]  }
0x15e: {  	v8 =	vld [tilespmem:s12+$0xFFFFFF60]  }
0x15f: {  	v9 =	vld [tilespmem:s12+$0xFFFFFFE0]  }
0x160: {  	v10 =	vld [tilespmem:s12+$0x60]  }
0x161: {  	v11 =	vld [tilespmem:s12+$0xE0]  }
0x162: {  	v1 =	vadd.f32 v3, v1;
	v3 =	vld [tilespmem:s12+$0x160]  }
0x163: {  	v12 =	vld [tilespmem:s9+$0xFFFFFE70];
	v5 =	vadd.f32 v5, v8  }
0x164: {  	v8 =	vld [tilespmem:s12+$0xFFFFFE70];
	[tilespmem:s12+$0xFFFFFEE0] =	vst v1;
	v1 =	vadd.f32 v7, v9  }
0x165: {  	v13 =	vld [tilespmem:s9+$0xFFFFFEF0];
	[tilespmem:s12+$0xFFFFFF60] =	vst v5;
	v5 =	vadd.f32 v4, v10  }
0x166: {  	v7 =	vld [tilespmem:s9+$0xFFFFFF70];
	[tilespmem:s12+$0xFFFFFFE0] =	vst v1;
	v1 =	vadd.f32 v6, v11  }
0x167: {  	v4 =	vld [tilespmem:s9+$0xFFFFFFF0];
	[tilespmem:s12+$0x60] =	vst v5;
	v2 =	vadd.f32 v2, v3  }
0x168: {  	v5 =	vld [tilespmem:s9+$0x70];
	[tilespmem:s12+$0xE0] =	vst v1  }
0x169: {  	v1 =	vadd.f32 v12, v8;
	v6 =	vld [tilespmem:s9+$0xF0];
	[tilespmem:s12+$0x160] =	vst v2  }
0x16a: {  	v3 =	vld [tilespmem:s9+$0x170]  }
0x16b: {  	[tilespmem:s12+$0xFFFFFE70] =	vst v1;
	v2 =	vld [tilespmem:s12+$0xFFFFFEF0]  }
.Ltmp3:
0x16c: {  	v10 =	vld [tilespmem:s12+$0xFFFFFF70];
	(pc) =	sbr.rel @p2 .LBB2_7-.Ltmp3, $4  }
0x16d: {  	v9 =	vld [tilespmem:s12+$0xFFFFFFF0]  }
0x16e: {  	v8 =	vld [tilespmem:s12+$0x70]  }
0x16f: {  	v1 =	vld [tilespmem:s12+$0xF0]  }
0x170: {  	s12 =	sadd.s32 $0x400, s12;
	v11 =	vadd.f32 v13, v2;
	v2 =	vld [tilespmem:s8+$0x170]  }
0x171: {  	v7 =	vadd.f32 v7, v10  }
0x172: {  	[tilespmem:s8+$0xFFFFFEF0] =	vst v11;
	v4 =	vadd.f32 v4, v9  }
0x173: {  	[tilespmem:s8+$0xFFFFFF70] =	vst v7;
	v5 =	vadd.f32 v5, v8  }
0x174: {  	[tilespmem:s8+$0xFFFFFFF0] =	vst v4;
	v1 =	vadd.f32 v6, v1  }
0x175: {  	s4 =	smul.u32 $0xA000, s4;
	[tilespmem:s8+$0x70] =	vst v5;
	v2 =	vadd.f32 v3, v2  }
0x176: {  	[tilespmem:s8+$0xF0] =	vst v1  }
0x177: {  	s4 =	sshrl.u32 s4, $0x2;
	[tilespmem:s8+$0x170] =	vst v2  }
0x178: {  	v1 =	vld [tilespmem:s4+$0x400];
	_ =	sdelay $0x3  }
0x179: {  	s12 =	sshll.u32 s29, $0x8  }
0x17a: {  	s8 =	sand.u32 $0x300, s12;
	v1 =	vmin.f32 v1, $0.0e+00  }
0x17b: {  	v2 =	vld [tilespmem:s8+$0x80];
	v1 =	vtrunc.f32 v1  }
0x17c: {  	v3 =	vld [tilespmem:s8+$0x90];
	v1 =	vcvt.f32.s32 v1  }
0x17d: {  	v4 =	vld [tilespmem:s8+$0xA0]  }
0x17e: {  	v62 =	vld [tilespmem:s8+$0xB0];
	v61 =	vshra.s32 v1, $0x1F  }
0x17f: {  	v63 =	vld [tilespmem:s8+$0xC0];
	v1 =	vand.u32 v61, v1  }
0x180: {  	vm0 =	vgt.s32 v2, v1  }
0x181: {  	vm12 =	vgt.s32 v3, v1;
	v2 =	vsel vm0, v2, v1  }
0x182: {  	p2 =	sne.s32 s30, $0x7D;
	vm13 =	vgt.s32 v4, v1;
	[tilespmem:s8+$0x80] =	vst v2;
	v2 =	vsel vm12, v3, v1  }
.Ltmp4:
0x183: {  	vm14 =	vgt.s32 v62, v1;
	[tilespmem:s8+$0x90] =	vst v2;
	v2 =	vsel vm13, v4, v1;
	(pc) =	sbr.rel @p2 .LBB2_4-.Ltmp4, $4  }
0x184: {  	vm15 =	vgt.s32 v63, v1;
	[tilespmem:s8+$0xA0] =	vst v2;
	v2 =	vsel vm14, v62, v1  }
0x185: {  	p1 =	por !p1, !p1;
	v1 =	vsel vm15, v63, v1;
	[tilespmem:s8+$0xB0] =	vst v2  }
0x186: {  	s29 =	smov.u32 s30;
	s4 =	sor.u32 $0x400, s4;
	s9 =	sor.u32 $0x80, s8;
	[tilespmem:s8+$0xC0] =	vst v1  }
0x187: {  	[spmem:s5] =	stream.indirect.scatter.add.f32 [tilespmem:s4], [sflag:$0x3], $0x80, s9, s26, $0xb8;
	[tilespmem:$0x1B800] =	vst v63  }
0x188: {  	_ =	swait.ge [sflag:s28], $0x2800  }
0x189: {  	[sflag:s28] =	ssyncset.done $0x0  }
0x18a: {  	[sflag:s28] =	ssyncadd.s32 $0xFFFFD800  }
0x18b: {  	s4 =	sshrl.u32 @p0 s7, $0x3;
	s8 =	simm.s32 @p0 $0x1FC4;
	[bflag:$0x0] =	sbarrier.arrive $0xFFFF  }
0x18c: {  	[hbm:s22], [sflag:s8] =	dma.local @p0 [spmem:s4], $0x2080  }
0x18d: {  	s4 =	simm.s32 @p0 $0x4  }
0x18e: {  	s6 =	sadd.s32 $0x1, s6;
	s8 =	stileid.u32;
	_ =	swait.ge @p0 [sflag:s4], $0x2080  }
0x18f: {  	p1 =	sne.s32 s6, s23;
	s8 =	sshll.u32 @!p0 s8, $0x6;
	[sflag:s4] =	ssyncset.done @p0 $0x0  }
0x190: {  	[sflag:s4] =	ssyncadd.s32 @p0 $0xFFFFDF80;
	s4 =	sor.u32 @!p0 $0x1C04, s8;
	s8 =	sshrl.u32 @!p0 s7, $0x3  }
0x191: {  	[hbm:s21], [sflag:s4] =	dma.local @!p0 [spmem:s8], $0x2780  }
.Ltmp5:
0x192: {  	_ = 	snop;
	(pc) =	sbr.rel @p1 .LBB2_1-.Ltmp5, $4  }
0x193: {  	s4 =	simm.s32 @!p0 $0x4  }
0x194: {  	_ =	swait.ge @!p0 [sflag:s4], $0x2780  }
0x195: {  	[sflag:s4] =	ssyncset.done @!p0 $0x0  }
0x196: {  	[sflag:s4] =	ssyncadd.s32 @!p0 $0xFFFFD880  }
0x197: {  	_ =	sfence.sel $0x180000  }
0x198: {  	[bflag:$0x0] =	sbarrier.arrive $0xFFFF  }
0x199: {  	_ =	strace $0x90000047  }
0x19a: {  	s0 =	stileid.u32;
	[bflag:$0x2] =	sbarrier.arrive $0xFFFF  }
0x19b: {  	p0 =	sne.s32 s0, $0x0;
	s0 =	rddreg [dreg:$0x5]  }
0x19c: {  	s0 =	sadd.s32 @!p0 $0x100000, s0  }
0x19d: {  	[sflag:s0] =	ssyncadd.tile.s32 @!p0 $0x1;
	_ =	shalt  }
.Lfunc_end2:
_tile_overlayer_lowered:
.L_overlay_start_2:
0x19e: {  	(tag) =	ssettag $0x2  }
0x19f: {  	s0 =	rddreg [dreg:$0x0];
	s2 =	stileid.u32  }
0x1a0: {  	s1 =	rddreg [dreg:$0x1];
	p0 =	sne.s32 s2, $0x0  }
0x1a1: {  	s3 =	rddreg [dreg:$0x2];
	[bflag:$0x3] =	sbarrier.arrive $0xFFFF;
	s2 =	simm.s32 @!p0 $0x1C04  }
0x1a2: {  	[timem:s3], [sflag:s2] =	dma.local @!p0 [hbm:s0], s1  }
0x1a3: {  	s0 =	simm.s32 @!p0 $0x4  }
0x1a4: {  	_ =	swait.ge @!p0 [sflag:s0], s1  }
0x1a5: {  	s1 =	ssub.s32 @!p0 $0x0, s1;
	[sflag:s0] =	ssyncset.done @!p0 $0x0  }
0x1a6: {  	[sflag:s0] =	ssyncadd.s32 @!p0 s1  }
0x1a7: {  	[bflag:$0x3] =	sbarrier.arrive $0xFFFF  }
0x1a8: {  	_ =	shalt  }

</sc_bundles>
